<compile_context>
chip_gen: v7x
topology: tpu7x:2x2x1
jax: 0.10.2.dev20260603
libtpu: 0.0.44.dev20260713+nightly
codegen_flags: <defaults>
</compile_context>

<pallas_src>
import functools

import jax
import jax.numpy as jnp
from jax import lax
from jax.experimental import pallas as pl
from jax.experimental.pallas import tpu as pltpu
from jax.experimental.pallas import tpu_sc as plsc

NC = 2
NS = 16
DH = 128
CH = 80
NACC = 10240
NSLOT = 128
SBLK = 64


def _pre_body(x_ref, w_ref, out_ref):
    y = lax.dot_general(x_ref[...], w_ref[...], (((1,), (1,)), ((), ())),
                        preferred_element_type=jnp.float32)
    y = jnp.maximum(y, 0.0)
    out_ref[0] = y[:, :DH]
    out_ref[1] = y[:, DH:]


def _pre_matmul(h_neighbour, w_pre, bn, n_pad):
    n, d = h_neighbour.shape
    grid = n // bn
    out = pl.pallas_call(
        _pre_body,
        grid=(grid,),
        in_specs=[
            pl.BlockSpec((bn, d), lambda i: (i, 0)),
            pl.BlockSpec((d, d), lambda i: (0, 0)),
        ],
        out_specs=pl.BlockSpec((NC, bn, DH), lambda i: (0, i, 0)),
        out_shape=jax.ShapeDtypeStruct((NC, n_pad, DH), jnp.float32),
    )(h_neighbour, w_pre)
    return out.reshape(NC * n_pad, DH)


def _sum_body(n_pad, e, table_ref, src_ref, dst_ref, out_s_ref, out_c_ref,
              src_blk, d_a, d_b, rows_a, rows_b, cnt2, acc,
              sg_a, sg_b, ss_a, ss_b, si_a, si_b):
    c = lax.axis_index("c")
    s = lax.axis_index("s")
    rpt = n_pad // NS
    base = s * rpt
    spt = NSLOT * CH

    w = s * NC + c
    zero16 = jnp.zeros((16,), jnp.float32)
    one16 = jnp.ones((16,), jnp.float32)

    def zero_cnt(i, _):
        cnt2[i // 8, pl.ds((i % 8) * 16, 16)] = zero16
        return 0
    lax.fori_loop(0, (NACC // 128) * 8, zero_cnt, 0)

    def count_chunk(d_v):
        def cadd(t, _):
            iv = d_v[pl.ds(t * 16, 16)]
            plsc.addupdate_scatter(cnt2, [jnp.right_shift(iv, 7),
                                          jnp.bitwise_and(iv, 127)], one16)
            return 0
        lax.fori_loop(0, CH // 16, cadd, 0)

    def zero_rows(i, _):
        rows_a[i // (DH // 16), pl.ds((i % (DH // 16)) * 16, 16)] = zero16
        return 0
    lax.fori_loop(0, CH * (DH // 16), zero_rows, 0)

    nzc = rpt // CH
    rem = rpt % CH

    def zero_acc(i, _):
        pltpu.sync_copy(rows_a, acc.at[pl.ds(base + i * CH, CH)])
        return 0
    lax.fori_loop(0, nzc, zero_acc, 0)
    if rem:
        pltpu.sync_copy(rows_a.at[pl.ds(0, rem)], acc.at[pl.ds(base + nzc * CH, rem)])

    plsc.subcore_barrier()

    sbase = (c * NS + s) * spt
    dbase = s * spt

    nsb = NSLOT // SBLK
    npair = SBLK // 2

    def superblock(sb, _):
        soff = sb * SBLK * CH
        pltpu.sync_copy(src_ref.at[pl.ds(sbase + soff, SBLK * CH)], src_blk)

        def gath(j, rows, sem):
            pltpu.async_copy(table_ref.at[src_blk.at[pl.ds(j * CH, CH)]],
                             rows, sem)

        def dcpy(j, d_v, sem):
            pltpu.async_copy(dst_ref.at[pl.ds(dbase + soff + j * CH, CH)],
                             d_v, sem)

        def scat(rows, d_v, sem):
            pltpu.async_copy(rows, acc.at[d_v], sem, add=True)

        def wait_g(rows, sem):
            pltpu.make_async_copy(table_ref.at[pl.ds(0, CH)], rows, sem).wait()

        def wait_s(rows, sem):
            pltpu.make_async_copy(table_ref.at[pl.ds(0, CH)], rows, sem).wait()

        def wait_d(d_v, sem):
            pltpu.make_async_copy(src_ref.at[pl.ds(0, CH)], d_v, sem).wait()

        dcpy(0, d_a, si_a)
        gath(0, rows_a, sg_a)

        def pair(k, _):
            a = 2 * k
            b = 2 * k + 1
            wait_g(rows_a, sg_a)
            wait_d(d_a, si_a)
            scat(rows_a, d_a, ss_a)
            count_chunk(d_a)

            @pl.when(k > 0)
            def _():
                wait_s(rows_b, ss_b)
            dcpy(b, d_b, si_b)
            gath(b, rows_b, sg_b)

            wait_g(rows_b, sg_b)
            wait_d(d_b, si_b)
            scat(rows_b, d_b, ss_b)
            count_chunk(d_b)

            wait_s(rows_a, ss_a)

            @pl.when(k < npair - 1)
            def _():
                dcpy(a + 2, d_a, si_a)
                gath(a + 2, rows_a, sg_a)
            return 0
        lax.fori_loop(0, npair, pair, 0)
        wait_s(rows_b, ss_b)
        return 0
    lax.fori_loop(0, nsb, superblock, 0)

    plsc.subcore_barrier()

    pltpu.sync_copy(acc.at[pl.ds(base, rpt)], out_s_ref.at[pl.ds(c * n_pad + base, rpt)])

    def wb(i, _):
        pltpu.sync_copy(cnt2.at[pl.ds(8 * i, 8)], out_c_ref.at[i].at[w])
        return 0
    lax.fori_loop(0, NACC // 1024, wb, 0)


def _segment_sum(table2, src1, dst1, n_pad, e):
    mesh = plsc.VectorSubcoreMesh(core_axis_name="c", subcore_axis_name="s",
                                  num_cores=NC, num_subcores=NS)
    return pl.kernel(
        functools.partial(_sum_body, n_pad, e),
        out_type=[jax.ShapeDtypeStruct((NC * n_pad, DH), jnp.float32),
                  jax.ShapeDtypeStruct((NACC // 1024, NC * NS, 8, 128), jnp.float32)],
        mesh=mesh,
        scratch_types=[
            pltpu.VMEM((SBLK * CH,), jnp.int32),
            pltpu.VMEM((CH,), jnp.int32),
            pltpu.VMEM((CH,), jnp.int32),
            pltpu.VMEM((CH, DH), jnp.float32),
            pltpu.VMEM((CH, DH), jnp.float32),
            pltpu.VMEM((NACC // 128, 128), jnp.float32),
            pltpu.VMEM_SHARED((n_pad, DH), jnp.float32),
            pltpu.SemaphoreType.DMA,
            pltpu.SemaphoreType.DMA,
            pltpu.SemaphoreType.DMA,
            pltpu.SemaphoreType.DMA,
            pltpu.SemaphoreType.DMA,
            pltpu.SemaphoreType.DMA,
        ],
        compiler_params=pltpu.CompilerParams(needs_layout_passes=False),
    )(table2, src1, dst1)


def _self_body(x_ref, w_ref, out_ref):
    out_ref[...] = lax.dot_general(x_ref[...], w_ref[...], (((1,), (1,)), ((), ())),
                                   preferred_element_type=jnp.float32)


def _self_matmul(h_self, w_self, bn):
    n, d = h_self.shape
    return pl.pallas_call(
        _self_body,
        grid=(n // bn,),
        in_specs=[pl.BlockSpec((bn, d), lambda i: (i, 0)),
                  pl.BlockSpec((d, d), lambda i: (0, 0))],
        out_specs=pl.BlockSpec((bn, d), lambda i: (i, 0)),
        out_shape=jax.ShapeDtypeStruct((n, d), jnp.float32),
    )(h_self, w_self)


def _post_body(zs_ref, s_ref, c_ref, wn_ref, out_ref):
    bn = zs_ref.shape[0]
    nt = NC * NS
    m = c_ref[0].reshape(nt * 8, 128)
    sel = (lax.broadcasted_iota(jnp.int32, (8, nt * 8), 1) % 8
           == lax.broadcasted_iota(jnp.int32, (8, nt * 8), 0)).astype(jnp.float32)
    cnt8 = lax.dot_general(sel, m, (((1,), (0,)), ((), ())),
                           preferred_element_type=jnp.float32)
    rowsel = (lax.broadcasted_iota(jnp.int32, (bn, 8), 1)
              == lax.broadcasted_iota(jnp.int32, (bn, 8), 0) // 128).astype(jnp.float32)
    rep = lax.dot_general(rowsel, cnt8, (((1,), (0,)), ((), ())),
                          preferred_element_type=jnp.float32)
    colmask = (lax.broadcasted_iota(jnp.int32, (bn, 128), 1)
               == lax.broadcasted_iota(jnp.int32, (bn, 128), 0) % 128).astype(jnp.float32)
    cnt = lax.dot_general(rep * colmask, jnp.ones((128, 1), jnp.float32),
                          (((1,), (0,)), ((), ())),
                          preferred_element_type=jnp.float32)
    cnt = jnp.maximum(cnt * 0.5, 1.0)
    neigh = jnp.concatenate([s_ref[0], s_ref[1]], axis=1) / cnt
    z = zs_ref[...] + lax.dot_general(neigh, wn_ref[...], (((1,), (1,)), ((), ())),
                                      preferred_element_type=jnp.float32)
    z = jnp.maximum(z, 0.0)
    ss = jnp.sum(z * z, axis=1, keepdims=True)
    inv = jnp.where(ss > 0.0, lax.rsqrt(ss), 1.0)
    out_ref[...] = z * inv


def _post(zs, summed, counts, w_neigh, bn, n_pad):
    n, d = zs.shape
    grid = (n + bn - 1) // bn
    summed3 = summed.reshape(NC, n_pad, DH)
    return pl.pallas_call(
        _post_body,
        grid=(grid,),
        in_specs=[
            pl.BlockSpec((bn, d), lambda i: (i, 0)),
            pl.BlockSpec((NC, bn, DH), lambda i: (0, i, 0)),
            pl.BlockSpec((1, NC * NS, 8, 128), lambda i: (i, 0, 0, 0)),
            pl.BlockSpec((d, d), lambda i: (0, 0)),
        ],
        out_specs=pl.BlockSpec((bn, d), lambda i: (i, 0)),
        out_shape=jax.ShapeDtypeStruct((n, d), jnp.float32),
    )(zs, summed3, counts, w_neigh)


def kernel(h_neighbour, h_self, edge_index, W_pre, W_self, W_neigh):
    n = h_self.shape[0]
    e = edge_index.shape[1]
    n_pad = ((n + NS * 8 - 1) // (NS * 8)) * (NS * 8)
    ei = edge_index.astype(jnp.int32)
    src = ei[0]
    dst = ei[1]
    ept = e // NS
    junk = n + 16
    pad_e = NSLOT * CH - ept
    src16 = jnp.concatenate([src.reshape(NS, ept),
                             jnp.zeros((NS, pad_e), jnp.int32)], axis=1)
    src1 = jnp.concatenate([src16[None], src16[None] + n_pad], axis=0).reshape(-1)
    dst1 = jnp.concatenate([dst.reshape(NS, ept),
                            jnp.full((NS, pad_e), junk, jnp.int32)], axis=1).reshape(-1)

    table2 = _pre_matmul(h_neighbour, W_pre, bn=1000, n_pad=n_pad)
    out_s, out_c = _segment_sum(table2, src1, dst1, n_pad, e)
    zs = _self_matmul(h_self, W_self, bn=1000)
    return _post(zs, out_s, out_c, W_neigh, bn=1024, n_pad=n_pad)

# --- scband reference (transcript-rebuilt; emitter-appended) ---
"""Pipeline reference for scband-message-passing-55035710931254 (READ-ONLY COPY).

The authoritative reference and input builder live on the scoring server;
editing this copy changes nothing except your own understanding.
"""

import jax, jax.numpy as jnp
import numpy as np

N = 10000
E = 160000
D = 256
D_OUT = 256


def setup_inputs(seed: int = 0) -> dict:
    key = jax.random.key(seed)
    k1, k2, k3, k4, k5, k6 = jax.random.split(key, 6)
    h_neighbour = jax.random.normal(k1, (N, D), dtype=jnp.float32)
    h_self = jax.random.normal(k2, (N, D), dtype=jnp.float32)
    edge_index = jax.random.randint(k3, (2, E), 0, N, dtype=jnp.int64)
    # Learned parameters (nn.Linear with bias=False stores weight [out, in]).
    bound_pre = 1.0 / np.sqrt(D)
    bound_self = 1.0 / np.sqrt(D)
    W_pre = jax.random.uniform(k4, (D, D), minval=-bound_pre, maxval=bound_pre, dtype=jnp.float32)
    W_self = jax.random.uniform(k5, (D_OUT, D), minval=-bound_self, maxval=bound_self, dtype=jnp.float32)
    W_neigh = jax.random.uniform(k6, (D_OUT, D), minval=-bound_self, maxval=bound_self, dtype=jnp.float32)
    return {
        "h_neighbour": h_neighbour,
        "h_self": h_self,
        "edge_index": edge_index,
        "W_pre": W_pre,
        "W_self": W_self,
        "W_neigh": W_neigh,
    }


def reference(h_neighbour, h_self, edge_index, W_pre, W_self, W_neigh):
    # dropout(p=0.0) is identity in eval/zero-prob, so omitted.
    n = h_self.shape[0]
    # graph.srcdata['h'] = relu(fc_pre_agg(h_neighbour))
    h_pre = jax.nn.relu(h_neighbour @ W_pre.T)
    src = edge_index[0]
    dst = edge_index[1]
    # update_all(copy_u('h','m'), mean('m','neigh')): gather src feats, mean-reduce by dst.
    msgs = jnp.take(h_pre, src, axis=0)
    summed = jax.ops.segment_sum(msgs, dst, num_segments=n)
    counts = jax.ops.segment_sum(jnp.ones((msgs.shape[0],), dtype=jnp.float32), dst, num_segments=n)
    neigh = summed / jnp.maximum(counts, 1.0)[:, None]  # zero in-degree -> 0 (DGL semantics)
    z = h_self @ W_self.T + neigh @ W_neigh.T
    z = jax.nn.relu(z)
    z_norm = jnp.linalg.norm(z, ord=2, axis=1, keepdims=True)
    z_norm = jnp.where(z_norm == 0, jnp.asarray(1.0, z_norm.dtype), z_norm)
    z = z / z_norm
    return z


if False:  # reference __main__ guard neutralized (emitter)
    out = reference(**setup_inputs())
    print(out.shape, out.dtype)

if __name__ == "__main__":
    import jax
    _d = setup_inputs()
    print(jax.jit(kernel)(*tuple(_d.values())))

</pallas_src>

<mosaic_0001>
#map = affine_map<(d0, d1) -> (0, 0)>
#map1 = affine_map<(d0, d1) -> (0)>
#map2 = affine_map<(d0, d1) -> (0, 0, 0, 0)>
module attributes {stable_mosaic.version = 14 : i64} {
  func.func @_sum_body(%arg0: i32, %arg1: i32, %arg2: memref<20224x128xf32, #tpu.memory_space<hbm>>, %arg3: memref<327680xi32, #tpu.memory_space<hbm>>, %arg4: memref<163840xi32, #tpu.memory_space<hbm>>, %arg5: memref<20224x128xf32, #tpu.memory_space<hbm>>, %arg6: memref<10x32x8x128xf32, #tpu.memory_space<hbm>>, %arg7: memref<5120xi32, #tpu.memory_space<vmem>>, %arg8: memref<80xi32, #tpu.memory_space<vmem>>, %arg9: memref<80xi32, #tpu.memory_space<vmem>>, %arg10: memref<80x128xf32, #tpu.memory_space<vmem>>, %arg11: memref<80x128xf32, #tpu.memory_space<vmem>>, %arg12: memref<80x128xf32, #tpu.memory_space<vmem>>, %arg13: memref<10112x128xf32, #tpu.memory_space<vmem_shared>>, %arg14: memref<!tpu.dma_semaphore, #tpu.memory_space<semaphore_mem>>, %arg15: memref<!tpu.dma_semaphore, #tpu.memory_space<semaphore_mem>>, %arg16: memref<!tpu.dma_semaphore, #tpu.memory_space<semaphore_mem>>, %arg17: memref<!tpu.dma_semaphore, #tpu.memory_space<semaphore_mem>>, %arg18: memref<!tpu.dma_semaphore, #tpu.memory_space<semaphore_mem>>, %arg19: memref<!tpu.dma_semaphore, #tpu.memory_space<semaphore_mem>>) attributes {dimension_semantics = [#tpu.dimension_semantics<core_parallel>, #tpu.dimension_semantics<subcore_parallel>], iteration_bounds = array<i64: 2, 16>, scalar_prefetch = 0 : i64, scratch_operands = 13 : i64, tpu.core_type = #tpu.core_type<sc_vector_subcore>, window_params = [{transform_indices = #map}, {transform_indices = #map1}, {transform_indices = #map1}, {transform_indices = #map}, {transform_indices = #map2}]} {
    %mul3A = arith.constant 632 : i32
    %mul3A_0 = arith.muli %arg1, %mul3A : i32
    %mul3A_1 = arith.constant 2 : i32
    %mul3A_2 = arith.muli %arg1, %mul3A_1 : i32
    %add3A = arith.addi %mul3A_2, %arg0 : i32
    %broadcast_in_dim3A = arith.constant 0.000000e+00 : f32
    %broadcast_in_dim3A_3 = vector.broadcast %broadcast_in_dim3A : f32 to vector<16xf32>
    %broadcast_in_dim3A_4 = arith.constant 1.000000e+00 : f32
    %broadcast_in_dim3A_5 = vector.broadcast %broadcast_in_dim3A_4 : f32 to vector<16xf32>
    %scan3A = arith.constant 0 : i32
    %scan3A_6 = arith.constant 0 : i32
    %scan3A_7 = arith.constant 640 : i32
    %scan3A_8 = arith.addi %scan3A_6, %scan3A_7 : i32
    %scan3A_9 = arith.constant 1 : i32
    %scan3A_10 = scf.for %scan3A_53 = %scan3A_6 to %scan3A_8 step %scan3A_9 iter_args(%scan3A_54 = %scan3A) -> (i32)  : i32 {
      %jit3A = arith.constant 8 : i32
      %div3A = arith.divsi %scan3A_53, %jit3A : i32
      %sign3A = arith.constant 0 : i32
      %sign3A_55 = arith.cmpi sgt, %scan3A_53, %sign3A : i32
      %sign3A_56 = arith.extui %sign3A_55 : i1 to i32
      %sign3A_57 = arith.constant 0 : i32
      %sign3A_58 = arith.cmpi slt, %scan3A_53, %sign3A_57 : i32
      %sign3A_59 = arith.extui %sign3A_58 : i1 to i32
      %sign3A_60 = arith.subi %sign3A_56, %sign3A_59 : i32
      %sign3A_61 = arith.constant 0 : i32
      %sign3A_62 = arith.cmpi sgt, %jit3A, %sign3A_61 : i32
      %sign3A_63 = arith.extui %sign3A_62 : i1 to i32
      %sign3A_64 = arith.constant 0 : i32
      %sign3A_65 = arith.cmpi slt, %jit3A, %sign3A_64 : i32
      %sign3A_66 = arith.extui %sign3A_65 : i1 to i32
      %sign3A_67 = arith.subi %sign3A_63, %sign3A_66 : i32
      %ne3A = arith.cmpi ne, %sign3A_60, %sign3A_67 : i32
      %rem3A = arith.remsi %scan3A_53, %jit3A : i32
      %ne3A_68 = arith.constant 0 : i32
      %ne3A_69 = arith.cmpi ne, %rem3A, %ne3A_68 : i32
      %and3A = arith.andi %ne3A, %ne3A_69 : i1
      %sub3A = arith.constant 1 : i32
      %sub3A_70 = arith.subi %div3A, %sub3A : i32
      %select_n3A = arith.select %and3A, %sub3A_70, %div3A : i32
      %jit3A_71 = arith.constant 8 : i32
      %eq3A = arith.constant 0 : i32
      %eq3A_72 = arith.cmpi eq, %jit3A_71, %eq3A : i32
      %jit3A_73 = arith.constant 1 : i32
      %select_n3A_74 = arith.select %eq3A_72, %jit3A_73, %jit3A_71 : i32
      %rem3A_75 = arith.remsi %scan3A_53, %select_n3A_74 : i32
      %ne3A_76 = arith.constant 0 : i32
      %ne3A_77 = arith.cmpi ne, %rem3A_75, %ne3A_76 : i32
      %lt3A = arith.constant 0 : i32
      %lt3A_78 = arith.cmpi slt, %rem3A_75, %lt3A : i32
      %lt3A_79 = arith.constant 0 : i32
      %lt3A_80 = arith.cmpi slt, %select_n3A_74, %lt3A_79 : i32
      %ne3A_81 = arith.xori %lt3A_78, %lt3A_80 : i1
      %and3A_82 = arith.andi %ne3A_81, %ne3A_77 : i1
      %add3A_83 = arith.addi %rem3A_75, %select_n3A_74 : i32
      %select_n3A_84 = arith.select %and3A_82, %add3A_83, %rem3A_75 : i32
      %mul3A_85 = arith.constant 16 : i32
      %mul3A_86 = arith.muli %select_n3A_84, %mul3A_85 : i32
      %swap3A = arith.index_cast %select_n3A : i32 to index
      %swap3A_87 = arith.index_cast %mul3A_86 : i32 to index
      %swap3A_88 = tpu.vector_load %arg12[%swap3A, %swap3A_87] {strides = array<i32>} : memref<80x128xf32, #tpu.memory_space<vmem>>, vector<16xf32>,
      tpu.vector_store %arg12[%swap3A, %swap3A_87], %broadcast_in_dim3A_3 {strides = array<i32>} : memref<80x128xf32, #tpu.memory_space<vmem>>, vector<16xf32>,
      %scan3A_89 = arith.constant 0 : i32
      scf.yield %scan3A_89 : i32
    }
    %scan3A_11 = arith.constant 640 : i32
    %scan3A_12 = arith.constant 0 : i32
    %scan3A_13 = arith.constant 0 : i32
    %scan3A_14 = arith.constant 640 : i32
    %scan3A_15 = arith.addi %scan3A_13, %scan3A_14 : i32
    %scan3A_16 = arith.constant 1 : i32
    %scan3A_17 = scf.for %scan3A_53 = %scan3A_13 to %scan3A_15 step %scan3A_16 iter_args(%scan3A_54 = %scan3A_12) -> (i32)  : i32 {
      %jit3A = arith.constant 8 : i32
      %div3A = arith.divsi %scan3A_53, %jit3A : i32
      %sign3A = arith.constant 0 : i32
      %sign3A_55 = arith.cmpi sgt, %scan3A_53, %sign3A : i32
      %sign3A_56 = arith.extui %sign3A_55 : i1 to i32
      %sign3A_57 = arith.constant 0 : i32
      %sign3A_58 = arith.cmpi slt, %scan3A_53, %sign3A_57 : i32
      %sign3A_59 = arith.extui %sign3A_58 : i1 to i32
      %sign3A_60 = arith.subi %sign3A_56, %sign3A_59 : i32
      %sign3A_61 = arith.constant 0 : i32
      %sign3A_62 = arith.cmpi sgt, %jit3A, %sign3A_61 : i32
      %sign3A_63 = arith.extui %sign3A_62 : i1 to i32
      %sign3A_64 = arith.constant 0 : i32
      %sign3A_65 = arith.cmpi slt, %jit3A, %sign3A_64 : i32
      %sign3A_66 = arith.extui %sign3A_65 : i1 to i32
      %sign3A_67 = arith.subi %sign3A_63, %sign3A_66 : i32
      %ne3A = arith.cmpi ne, %sign3A_60, %sign3A_67 : i32
      %rem3A = arith.remsi %scan3A_53, %jit3A : i32
      %ne3A_68 = arith.constant 0 : i32
      %ne3A_69 = arith.cmpi ne, %rem3A, %ne3A_68 : i32
      %and3A = arith.andi %ne3A, %ne3A_69 : i1
      %sub3A = arith.constant 1 : i32
      %sub3A_70 = arith.subi %div3A, %sub3A : i32
      %select_n3A = arith.select %and3A, %sub3A_70, %div3A : i32
      %jit3A_71 = arith.constant 8 : i32
      %eq3A = arith.constant 0 : i32
      %eq3A_72 = arith.cmpi eq, %jit3A_71, %eq3A : i32
      %jit3A_73 = arith.constant 1 : i32
      %select_n3A_74 = arith.select %eq3A_72, %jit3A_73, %jit3A_71 : i32
      %rem3A_75 = arith.remsi %scan3A_53, %select_n3A_74 : i32
      %ne3A_76 = arith.constant 0 : i32
      %ne3A_77 = arith.cmpi ne, %rem3A_75, %ne3A_76 : i32
      %lt3A = arith.constant 0 : i32
      %lt3A_78 = arith.cmpi slt, %rem3A_75, %lt3A : i32
      %lt3A_79 = arith.constant 0 : i32
      %lt3A_80 = arith.cmpi slt, %select_n3A_74, %lt3A_79 : i32
      %ne3A_81 = arith.xori %lt3A_78, %lt3A_80 : i1
      %and3A_82 = arith.andi %ne3A_81, %ne3A_77 : i1
      %add3A_83 = arith.addi %rem3A_75, %select_n3A_74 : i32
      %select_n3A_84 = arith.select %and3A_82, %add3A_83, %rem3A_75 : i32
      %mul3A_85 = arith.constant 16 : i32
      %mul3A_86 = arith.muli %select_n3A_84, %mul3A_85 : i32
      %swap3A = arith.index_cast %select_n3A : i32 to index
      %swap3A_87 = arith.index_cast %mul3A_86 : i32 to index
      %swap3A_88 = tpu.vector_load %arg10[%swap3A, %swap3A_87] {strides = array<i32>} : memref<80x128xf32, #tpu.memory_space<vmem>>, vector<16xf32>,
      tpu.vector_store %arg10[%swap3A, %swap3A_87], %broadcast_in_dim3A_3 {strides = array<i32>} : memref<80x128xf32, #tpu.memory_space<vmem>>, vector<16xf32>,
      %scan3A_89 = arith.constant 0 : i32
      scf.yield %scan3A_89 : i32
    }
    %scan3A_18 = arith.constant 640 : i32
    %scan3A_19 = arith.constant 0 : i32
    %scan3A_20 = arith.constant 0 : i32
    %scan3A_21 = arith.constant 7 : i32
    %scan3A_22 = arith.addi %scan3A_20, %scan3A_21 : i32
    %scan3A_23 = arith.constant 1 : i32
    %scan3A_24 = scf.for %scan3A_53 = %scan3A_20 to %scan3A_22 step %scan3A_23 iter_args(%scan3A_54 = %scan3A_19) -> (i32)  : i32 {
      %mul3A_55 = arith.constant 80 : i32
      %mul3A_56 = arith.muli %scan3A_53, %mul3A_55 : i32
      %add3A_57 = arith.addi %mul3A_0, %mul3A_56 : i32
      "tpu.region"() ({
        %run_scoped3A = tpu.sem_alloc : memref<!tpu.dma_semaphore, #tpu.memory_space<semaphore_mem>>
        %dma_start3A = arith.constant 0 : i32
        %dma_start3A_59 = tpu.memref_slice %arg13[%add3A_57, %dma_start3A] : memref<10112x128xf32, #tpu.memory_space<vmem_shared>> -> memref<80x128xf32, #tpu.memory_space<vmem_shared>>
        %dma_start3A_60 = arith.constant 0 : i32
        %dma_start3A_61 = tpu.memref_slice %arg13[%add3A_57, %dma_start3A_60] : memref<10112x128xf32, #tpu.memory_space<vmem_shared>> -> memref<80x128xf32, #tpu.memory_space<vmem_shared>>
        tpu.enqueue_dma source(%arg10 : memref<80x128xf32, #tpu.memory_space<vmem>>) target(%dma_start3A_61 : memref<80x128xf32, #tpu.memory_space<vmem_shared>>) target_semaphore(%run_scoped3A : memref<!tpu.dma_semaphore, #tpu.memory_space<semaphore_mem>>)
        %dma_wait3A = arith.constant 0 : i32
        %dma_wait3A_62 = tpu.memref_slice %arg13[%add3A_57, %dma_wait3A] : memref<10112x128xf32, #tpu.memory_space<vmem_shared>> -> memref<80x128xf32, #tpu.memory_space<vmem_shared>>
        %dma_wait3A_63 = arith.constant 0 : i32
        %dma_wait3A_64 = tpu.memref_slice %arg13[%add3A_57, %dma_wait3A_63] : memref<10112x128xf32, #tpu.memory_space<vmem_shared>> -> memref<80x128xf32, #tpu.memory_space<vmem_shared>>
        tpu.wait_dma2 semaphore(%run_scoped3A : memref<!tpu.dma_semaphore, #tpu.memory_space<semaphore_mem>>) src(%arg10 : memref<80x128xf32, #tpu.memory_space<vmem>>) dst(%dma_wait3A_64 : memref<80x128xf32, #tpu.memory_space<vmem_shared>>)
        tpu.yield
      }) : () -> ()
      %scan3A_58 = arith.constant 0 : i32
      scf.yield %scan3A_58 : i32
    }
    %scan3A_25 = arith.constant 7 : i32
    %add3A_26 = arith.constant 560 : i32
    %add3A_27 = arith.addi %mul3A_0, %add3A_26 : i32
    "tpu.region"() ({
      %run_scoped3A = tpu.sem_alloc : memref<!tpu.dma_semaphore, #tpu.memory_space<semaphore_mem>>
      %dma_start3A = arith.constant 0 : i32
      %dma_start3A_53 = arith.constant 0 : i32
      %dma_start3A_54 = tpu.memref_slice %arg10[%dma_start3A, %dma_start3A_53] : memref<80x128xf32, #tpu.memory_space<vmem>> -> memref<72x128xf32, #tpu.memory_space<vmem>>
      %dma_start3A_55 = arith.constant 0 : i32
      %dma_start3A_56 = tpu.memref_slice %arg13[%add3A_27, %dma_start3A_55] : memref<10112x128xf32, #tpu.memory_space<vmem_shared>> -> memref<72x128xf32, #tpu.memory_space<vmem_shared>>
      %dma_start3A_57 = arith.constant 0 : i32
      %dma_start3A_58 = tpu.memref_slice %arg13[%add3A_27, %dma_start3A_57] : memref<10112x128xf32, #tpu.memory_space<vmem_shared>> -> memref<72x128xf32, #tpu.memory_space<vmem_shared>>
      %dma_start3A_59 = arith.constant 0 : i32
      %dma_start3A_60 = arith.constant 0 : i32
      %dma_start3A_61 = tpu.memref_slice %arg10[%dma_start3A_59, %dma_start3A_60] : memref<80x128xf32, #tpu.memory_space<vmem>> -> memref<72x128xf32, #tpu.memory_space<vmem>>
      tpu.enqueue_dma source(%dma_start3A_61 : memref<72x128xf32, #tpu.memory_space<vmem>>) target(%dma_start3A_58 : memref<72x128xf32, #tpu.memory_space<vmem_shared>>) target_semaphore(%run_scoped3A : memref<!tpu.dma_semaphore, #tpu.memory_space<semaphore_mem>>)
      %dma_wait3A = arith.constant 0 : i32
      %dma_wait3A_62 = arith.constant 0 : i32
      %dma_wait3A_63 = tpu.memref_slice %arg10[%dma_wait3A, %dma_wait3A_62] : memref<80x128xf32, #tpu.memory_space<vmem>> -> memref<72x128xf32, #tpu.memory_space<vmem>>
      %dma_wait3A_64 = arith.constant 0 : i32
      %dma_wait3A_65 = tpu.memref_slice %arg13[%add3A_27, %dma_wait3A_64] : memref<10112x128xf32, #tpu.memory_space<vmem_shared>> -> memref<72x128xf32, #tpu.memory_space<vmem_shared>>
      %dma_wait3A_66 = arith.constant 0 : i32
      %dma_wait3A_67 = tpu.memref_slice %arg13[%add3A_27, %dma_wait3A_66] : memref<10112x128xf32, #tpu.memory_space<vmem_shared>> -> memref<72x128xf32, #tpu.memory_space<vmem_shared>>
      %dma_wait3A_68 = arith.constant 0 : i32
      %dma_wait3A_69 = arith.constant 0 : i32
      %dma_wait3A_70 = tpu.memref_slice %arg10[%dma_wait3A_68, %dma_wait3A_69] : memref<80x128xf32, #tpu.memory_space<vmem>> -> memref<72x128xf32, #tpu.memory_space<vmem>>
      tpu.wait_dma2 semaphore(%run_scoped3A : memref<!tpu.dma_semaphore, #tpu.memory_space<semaphore_mem>>) src(%dma_wait3A_70 : memref<72x128xf32, #tpu.memory_space<vmem>>) dst(%dma_wait3A_67 : memref<72x128xf32, #tpu.memory_space<vmem_shared>>)
      tpu.yield
    }) : () -> ()
    %barrier3A = arith.constant 0 : index
    tpu.barrier barrier_id(%barrier3A)
    %mul3A_28 = arith.constant 16 : i32
    %mul3A_29 = arith.muli %arg0, %mul3A_28 : i32
    %add3A_30 = arith.addi %mul3A_29, %arg1 : i32
    %mul3A_31 = arith.constant 10240 : i32
    %mul3A_32 = arith.muli %add3A_30, %mul3A_31 : i32
    %mul3A_33 = arith.constant 10240 : i32
    %mul3A_34 = arith.muli %arg1, %mul3A_33 : i32
    %scan3A_35 = arith.constant 0 : i32
    %scan3A_36 = arith.constant 0 : i32
    %scan3A_37 = arith.constant 2 : i32
    %scan3A_38 = arith.addi %scan3A_36, %scan3A_37 : i32
    %scan3A_39 = arith.constant 1 : i32
    %scan3A_40 = scf.for %scan3A_53 = %scan3A_36 to %scan3A_38 step %scan3A_39 iter_args(%scan3A_54 = %scan3A_35) -> (i32)  : i32 {
      %mul3A_55 = arith.constant 64 : i32
      %mul3A_56 = arith.muli %scan3A_53, %mul3A_55 : i32
      %mul3A_57 = arith.constant 80 : i32
      %mul3A_58 = arith.muli %mul3A_56, %mul3A_57 : i32
      %add3A_59 = arith.addi %mul3A_32, %mul3A_58 : i32
      "tpu.region"() ({
        %run_scoped3A = tpu.sem_alloc : memref<!tpu.dma_semaphore, #tpu.memory_space<semaphore_mem>>
        %dma_start3A_82 = tpu.memref_slice %arg3[%add3A_59] : memref<327680xi32, #tpu.memory_space<hbm>> -> memref<5120xi32, #tpu.memory_space<hbm>>
        %dma_start3A_83 = tpu.memref_slice %arg3[%add3A_59] : memref<327680xi32, #tpu.memory_space<hbm>> -> memref<5120xi32, #tpu.memory_space<hbm>>
        tpu.enqueue_dma source(%dma_start3A_83 : memref<5120xi32, #tpu.memory_space<hbm>>) target(%arg7 : memref<5120xi32, #tpu.memory_space<vmem>>) target_semaphore(%run_scoped3A : memref<!tpu.dma_semaphore, #tpu.memory_space<semaphore_mem>>)
        %dma_wait3A_84 = tpu.memref_slice %arg3[%add3A_59] : memref<327680xi32, #tpu.memory_space<hbm>> -> memref<5120xi32, #tpu.memory_space<hbm>>
        %dma_wait3A_85 = tpu.memref_slice %arg3[%add3A_59] : memref<327680xi32, #tpu.memory_space<hbm>> -> memref<5120xi32, #tpu.memory_space<hbm>>
        tpu.wait_dma2 semaphore(%run_scoped3A : memref<!tpu.dma_semaphore, #tpu.memory_space<semaphore_mem>>) src(%dma_wait3A_85 : memref<5120xi32, #tpu.memory_space<hbm>>) dst(%arg7 : memref<5120xi32, #tpu.memory_space<vmem>>)
        tpu.yield
      }) : () -> ()
      %add3A_60 = arith.addi %mul3A_34, %mul3A_58 : i32
      %add3A_61 = arith.constant 0 : i32
      %add3A_62 = arith.addi %add3A_60, %add3A_61 : i32
      %dma_start3A = tpu.memref_slice %arg4[%add3A_62] : memref<163840xi32, #tpu.memory_space<hbm>> -> memref<80xi32, #tpu.memory_space<hbm>>
      %dma_start3A_63 = tpu.memref_slice %arg4[%add3A_62] : memref<163840xi32, #tpu.memory_space<hbm>> -> memref<80xi32, #tpu.memory_space<hbm>>
      tpu.enqueue_dma source(%dma_start3A_63 : memref<80xi32, #tpu.memory_space<hbm>>) target(%arg8 : memref<80xi32, #tpu.memory_space<vmem>>) target_semaphore(%arg18 : memref<!tpu.dma_semaphore, #tpu.memory_space<semaphore_mem>>)
      %dma_start3A_64 = arith.constant 0 : i32
      %dma_start3A_65 = tpu.memref_slice %arg7[%dma_start3A_64] : memref<5120xi32, #tpu.memory_space<vmem>> -> memref<80xi32, #tpu.memory_space<vmem>>
      %dma_start3A_66 = arith.constant 0 : i32
      %dma_start3A_67 = arith.constant 0 : i32
      %dma_start3A_68 = tpu.memref_slice %arg2[%dma_start3A_66, %dma_start3A_67] : memref<20224x128xf32, #tpu.memory_space<hbm>> -> memref<20224x128xf32, #tpu.memory_space<hbm>>
      tpu.enqueue_indirect_dma source(%dma_start3A_68 : memref<20224x128xf32, #tpu.memory_space<hbm>>) target(%arg10 : memref<80x128xf32, #tpu.memory_space<vmem>>) offsets(%dma_start3A_65 : memref<80xi32, #tpu.memory_space<vmem>>) semaphore(%arg14 : memref<!tpu.dma_semaphore, #tpu.memory_space<semaphore_mem>>)
      %scan3A_69 = arith.constant 0 : i32
      %scan3A_70 = arith.constant 0 : i32
      %scan3A_71 = arith.constant 32 : i32
      %scan3A_72 = arith.addi %scan3A_70, %scan3A_71 : i32
      %scan3A_73 = arith.constant 1 : i32
      %scan3A_74 = scf.for %scan3A_82 = %scan3A_70 to %scan3A_72 step %scan3A_73 iter_args(%scan3A_83 = %scan3A_69) -> (i32)  : i32 {
        %mul3A_84 = arith.constant 2 : i32
        %mul3A_85 = arith.muli %mul3A_84, %scan3A_82 : i32
        %mul3A_86 = arith.constant 2 : i32
        %mul3A_87 = arith.muli %mul3A_86, %scan3A_82 : i32
        %add3A_88 = arith.constant 1 : i32
        %add3A_89 = arith.addi %mul3A_87, %add3A_88 : i32
        %dma_wait3A_90 = arith.constant 0 : i32
        %dma_wait3A_91 = arith.constant 0 : i32
        %dma_wait3A_92 = tpu.memref_slice %arg2[%dma_wait3A_90, %dma_wait3A_91] : memref<20224x128xf32, #tpu.memory_space<hbm>> -> memref<80x128xf32, #tpu.memory_space<hbm>>
        %dma_wait3A_93 = arith.constant 0 : i32
        %dma_wait3A_94 = arith.constant 0 : i32
        %dma_wait3A_95 = tpu.memref_slice %arg2[%dma_wait3A_93, %dma_wait3A_94] : memref<20224x128xf32, #tpu.memory_space<hbm>> -> memref<80x128xf32, #tpu.memory_space<hbm>>
        tpu.wait_dma2 semaphore(%arg14 : memref<!tpu.dma_semaphore, #tpu.memory_space<semaphore_mem>>) src(%dma_wait3A_95 : memref<80x128xf32, #tpu.memory_space<hbm>>) dst(%arg10 : memref<80x128xf32, #tpu.memory_space<vmem>>)
        %dma_wait3A_96 = arith.constant 0 : i32
        %dma_wait3A_97 = tpu.memref_slice %arg3[%dma_wait3A_96] : memref<327680xi32, #tpu.memory_space<hbm>> -> memref<80xi32, #tpu.memory_space<hbm>>
        %dma_wait3A_98 = arith.constant 0 : i32
        %dma_wait3A_99 = tpu.memref_slice %arg3[%dma_wait3A_98] : memref<327680xi32, #tpu.memory_space<hbm>> -> memref<80xi32, #tpu.memory_space<hbm>>
        tpu.wait_dma2 semaphore(%arg18 : memref<!tpu.dma_semaphore, #tpu.memory_space<semaphore_mem>>) src(%dma_wait3A_99 : memref<80xi32, #tpu.memory_space<hbm>>) dst(%arg8 : memref<80xi32, #tpu.memory_space<vmem>>)
        %dma_start3A_100 = arith.constant 0 : i32
        %dma_start3A_101 = arith.constant 0 : i32
        %dma_start3A_102 = tpu.memref_slice %arg13[%dma_start3A_100, %dma_start3A_101] : memref<10112x128xf32, #tpu.memory_space<vmem_shared>> -> memref<10112x128xf32, #tpu.memory_space<vmem_shared>>
        tpu.enqueue_indirect_dma source(%arg10 : memref<80x128xf32, #tpu.memory_space<vmem>>) target(%dma_start3A_102 : memref<10112x128xf32, #tpu.memory_space<vmem_shared>>) offsets(%arg8 : memref<80xi32, #tpu.memory_space<vmem>>) semaphore(%arg16 : memref<!tpu.dma_semaphore, #tpu.memory_space<semaphore_mem>>) {add = true}
        %scan3A_103 = arith.constant 0 : i32
        %scan3A_104 = arith.constant 0 : i32
        %scan3A_105 = arith.constant 5 : i32
        %scan3A_106 = arith.addi %scan3A_104, %scan3A_105 : i32
        %scan3A_107 = arith.constant 1 : i32
        %scan3A_108 = scf.for %scan3A_155 = %scan3A_104 to %scan3A_106 step %scan3A_107 iter_args(%scan3A_156 = %scan3A_103) -> (i32)  : i32 {
          %mul3A_157 = arith.constant 16 : i32
          %mul3A_158 = arith.muli %scan3A_155, %mul3A_157 : i32
          %get3A = arith.index_cast %mul3A_158 : i32 to index
          %get3A_159 = tpu.vector_load %arg8[%get3A] {strides = array<i32>} : memref<80xi32, #tpu.memory_space<vmem>>, vector<16xi32>,
          %shift_right_arithmetic3A = arith.constant 7 : i32
          %shift_right_arithmetic3A_160 = vector.broadcast %shift_right_arithmetic3A : i32 to vector<16xi32>
          %shift_right_arithmetic3A_161 = arith.shrsi %get3A_159, %shift_right_arithmetic3A_160 : vector<16xi32>
          %and3A = arith.constant 127 : i32
          %and3A_162 = vector.broadcast %and3A : i32 to vector<16xi32>
          %and3A_163 = arith.andi %get3A_159, %and3A_162 : vector<16xi32>
          tpu.vector_store_idx %arg12[%shift_right_arithmetic3A_161, %and3A_163], %broadcast_in_dim3A_5 {add = true} : memref<80x128xf32, #tpu.memory_space<vmem>>[vector<16xi32>, vector<16xi32>], vector<16xf32>,
          %scan3A_164 = arith.constant 0 : i32
          scf.yield %scan3A_164 : i32
        }
        %scan3A_109 = arith.constant 5 : i32
        %gt3A = arith.constant 0 : i32
        %gt3A_110 = arith.cmpi sgt, %scan3A_82, %gt3A : i32
        %convert_element_type3A = arith.extui %gt3A_110 : i1 to i32
        %cond3A = arith.constant 0 : i32
        %cond3A_111 = arith.cmpi ne, %convert_element_type3A, %cond3A : i32
        scf.if %cond3A_111 {
          %dma_wait3A_155 = arith.constant 0 : i32
          %dma_wait3A_156 = arith.constant 0 : i32
          %dma_wait3A_157 = tpu.memref_slice %arg2[%dma_wait3A_155, %dma_wait3A_156] : memref<20224x128xf32, #tpu.memory_space<hbm>> -> memref<80x128xf32, #tpu.memory_space<hbm>>
          %dma_wait3A_158 = arith.constant 0 : i32
          %dma_wait3A_159 = arith.constant 0 : i32
          %dma_wait3A_160 = tpu.memref_slice %arg2[%dma_wait3A_158, %dma_wait3A_159] : memref<20224x128xf32, #tpu.memory_space<hbm>> -> memref<80x128xf32, #tpu.memory_space<hbm>>
          tpu.wait_dma2 semaphore(%arg17 : memref<!tpu.dma_semaphore, #tpu.memory_space<semaphore_mem>>) src(%dma_wait3A_160 : memref<80x128xf32, #tpu.memory_space<hbm>>) dst(%arg11 : memref<80x128xf32, #tpu.memory_space<vmem>>)
        } else {
        }
        %add3A_112 = arith.addi %mul3A_34, %mul3A_58 : i32
        %mul3A_113 = arith.constant 80 : i32
        %mul3A_114 = arith.muli %add3A_89, %mul3A_113 : i32
        %add3A_115 = arith.addi %add3A_112, %mul3A_114 : i32
        %dma_start3A_116 = tpu.memref_slice %arg4[%add3A_115] : memref<163840xi32, #tpu.memory_space<hbm>> -> memref<80xi32, #tpu.memory_space<hbm>>
        %dma_start3A_117 = tpu.memref_slice %arg4[%add3A_115] : memref<163840xi32, #tpu.memory_space<hbm>> -> memref<80xi32, #tpu.memory_space<hbm>>
        tpu.enqueue_dma source(%dma_start3A_117 : memref<80xi32, #tpu.memory_space<hbm>>) target(%arg9 : memref<80xi32, #tpu.memory_space<vmem>>) target_semaphore(%arg19 : memref<!tpu.dma_semaphore, #tpu.memory_space<semaphore_mem>>)
        %mul3A_118 = arith.constant 80 : i32
        %mul3A_119 = arith.muli %add3A_89, %mul3A_118 : i32
        %dma_start3A_120 = tpu.memref_slice %arg7[%mul3A_119] : memref<5120xi32, #tpu.memory_space<vmem>> -> memref<80xi32, #tpu.memory_space<vmem>>
        %dma_start3A_121 = arith.constant 0 : i32
        %dma_start3A_122 = arith.constant 0 : i32
        %dma_start3A_123 = tpu.memref_slice %arg2[%dma_start3A_121, %dma_start3A_122] : memref<20224x128xf32, #tpu.memory_space<hbm>> -> memref<20224x128xf32, #tpu.memory_space<hbm>>
        tpu.enqueue_indirect_dma source(%dma_start3A_123 : memref<20224x128xf32, #tpu.memory_space<hbm>>) target(%arg11 : memref<80x128xf32, #tpu.memory_space<vmem>>) offsets(%dma_start3A_120 : memref<80xi32, #tpu.memory_space<vmem>>) semaphore(%arg15 : memref<!tpu.dma_semaphore, #tpu.memory_space<semaphore_mem>>)
        %dma_wait3A_124 = arith.constant 0 : i32
        %dma_wait3A_125 = arith.constant 0 : i32
        %dma_wait3A_126 = tpu.memref_slice %arg2[%dma_wait3A_124, %dma_wait3A_125] : memref<20224x128xf32, #tpu.memory_space<hbm>> -> memref<80x128xf32, #tpu.memory_space<hbm>>
        %dma_wait3A_127 = arith.constant 0 : i32
        %dma_wait3A_128 = arith.constant 0 : i32
        %dma_wait3A_129 = tpu.memref_slice %arg2[%dma_wait3A_127, %dma_wait3A_128] : memref<20224x128xf32, #tpu.memory_space<hbm>> -> memref<80x128xf32, #tpu.memory_space<hbm>>
        tpu.wait_dma2 semaphore(%arg15 : memref<!tpu.dma_semaphore, #tpu.memory_space<semaphore_mem>>) src(%dma_wait3A_129 : memref<80x128xf32, #tpu.memory_space<hbm>>) dst(%arg11 : memref<80x128xf32, #tpu.memory_space<vmem>>)
        %dma_wait3A_130 = arith.constant 0 : i32
        %dma_wait3A_131 = tpu.memref_slice %arg3[%dma_wait3A_130] : memref<327680xi32, #tpu.memory_space<hbm>> -> memref<80xi32, #tpu.memory_space<hbm>>
        %dma_wait3A_132 = arith.constant 0 : i32
        %dma_wait3A_133 = tpu.memref_slice %arg3[%dma_wait3A_132] : memref<327680xi32, #tpu.memory_space<hbm>> -> memref<80xi32, #tpu.memory_space<hbm>>
        tpu.wait_dma2 semaphore(%arg19 : memref<!tpu.dma_semaphore, #tpu.memory_space<semaphore_mem>>) src(%dma_wait3A_133 : memref<80xi32, #tpu.memory_space<hbm>>) dst(%arg9 : memref<80xi32, #tpu.memory_space<vmem>>)
        %dma_start3A_134 = arith.constant 0 : i32
        %dma_start3A_135 = arith.constant 0 : i32
        %dma_start3A_136 = tpu.memref_slice %arg13[%dma_start3A_134, %dma_start3A_135] : memref<10112x128xf32, #tpu.memory_space<vmem_shared>> -> memref<10112x128xf32, #tpu.memory_space<vmem_shared>>
        tpu.enqueue_indirect_dma source(%arg11 : memref<80x128xf32, #tpu.memory_space<vmem>>) target(%dma_start3A_136 : memref<10112x128xf32, #tpu.memory_space<vmem_shared>>) offsets(%arg9 : memref<80xi32, #tpu.memory_space<vmem>>) semaphore(%arg17 : memref<!tpu.dma_semaphore, #tpu.memory_space<semaphore_mem>>) {add = true}
        %scan3A_137 = arith.constant 0 : i32
        %scan3A_138 = arith.constant 0 : i32
        %scan3A_139 = arith.constant 5 : i32
        %scan3A_140 = arith.addi %scan3A_138, %scan3A_139 : i32
        %scan3A_141 = arith.constant 1 : i32
        %scan3A_142 = scf.for %scan3A_155 = %scan3A_138 to %scan3A_140 step %scan3A_141 iter_args(%scan3A_156 = %scan3A_137) -> (i32)  : i32 {
          %mul3A_157 = arith.constant 16 : i32
          %mul3A_158 = arith.muli %scan3A_155, %mul3A_157 : i32
          %get3A = arith.index_cast %mul3A_158 : i32 to index
          %get3A_159 = tpu.vector_load %arg9[%get3A] {strides = array<i32>} : memref<80xi32, #tpu.memory_space<vmem>>, vector<16xi32>,
          %shift_right_arithmetic3A = arith.constant 7 : i32
          %shift_right_arithmetic3A_160 = vector.broadcast %shift_right_arithmetic3A : i32 to vector<16xi32>
          %shift_right_arithmetic3A_161 = arith.shrsi %get3A_159, %shift_right_arithmetic3A_160 : vector<16xi32>
          %and3A = arith.constant 127 : i32
          %and3A_162 = vector.broadcast %and3A : i32 to vector<16xi32>
          %and3A_163 = arith.andi %get3A_159, %and3A_162 : vector<16xi32>
          tpu.vector_store_idx %arg12[%shift_right_arithmetic3A_161, %and3A_163], %broadcast_in_dim3A_5 {add = true} : memref<80x128xf32, #tpu.memory_space<vmem>>[vector<16xi32>, vector<16xi32>], vector<16xf32>,
          %scan3A_164 = arith.constant 0 : i32
          scf.yield %scan3A_164 : i32
        }
        %scan3A_143 = arith.constant 5 : i32
        %dma_wait3A_144 = arith.constant 0 : i32
        %dma_wait3A_145 = arith.constant 0 : i32
        %dma_wait3A_146 = tpu.memref_slice %arg2[%dma_wait3A_144, %dma_wait3A_145] : memref<20224x128xf32, #tpu.memory_space<hbm>> -> memref<80x128xf32, #tpu.memory_space<hbm>>
        %dma_wait3A_147 = arith.constant 0 : i32
        %dma_wait3A_148 = arith.constant 0 : i32
        %dma_wait3A_149 = tpu.memref_slice %arg2[%dma_wait3A_147, %dma_wait3A_148] : memref<20224x128xf32, #tpu.memory_space<hbm>> -> memref<80x128xf32, #tpu.memory_space<hbm>>
        tpu.wait_dma2 semaphore(%arg16 : memref<!tpu.dma_semaphore, #tpu.memory_space<semaphore_mem>>) src(%dma_wait3A_149 : memref<80x128xf32, #tpu.memory_space<hbm>>) dst(%arg10 : memref<80x128xf32, #tpu.memory_space<vmem>>)
        %lt3A = arith.constant 31 : i32
        %lt3A_150 = arith.cmpi slt, %scan3A_82, %lt3A : i32
        %convert_element_type3A_151 = arith.extui %lt3A_150 : i1 to i32
        %cond3A_152 = arith.constant 0 : i32
        %cond3A_153 = arith.cmpi ne, %convert_element_type3A_151, %cond3A_152 : i32
        scf.if %cond3A_153 {
          %add3A_155 = arith.constant 2 : i32
          %add3A_156 = arith.addi %mul3A_85, %add3A_155 : i32
          %add3A_157 = arith.addi %mul3A_34, %mul3A_58 : i32
          %mul3A_158 = arith.constant 80 : i32
          %mul3A_159 = arith.muli %add3A_156, %mul3A_158 : i32
          %add3A_160 = arith.addi %add3A_157, %mul3A_159 : i32
          %dma_start3A_161 = tpu.memref_slice %arg4[%add3A_160] : memref<163840xi32, #tpu.memory_space<hbm>> -> memref<80xi32, #tpu.memory_space<hbm>>
          %dma_start3A_162 = tpu.memref_slice %arg4[%add3A_160] : memref<163840xi32, #tpu.memory_space<hbm>> -> memref<80xi32, #tpu.memory_space<hbm>>
          tpu.enqueue_dma source(%dma_start3A_162 : memref<80xi32, #tpu.memory_space<hbm>>) target(%arg8 : memref<80xi32, #tpu.memory_space<vmem>>) target_semaphore(%arg18 : memref<!tpu.dma_semaphore, #tpu.memory_space<semaphore_mem>>)
          %add3A_163 = arith.constant 2 : i32
          %add3A_164 = arith.addi %mul3A_85, %add3A_163 : i32
          %mul3A_165 = arith.constant 80 : i32
          %mul3A_166 = arith.muli %add3A_164, %mul3A_165 : i32
          %dma_start3A_167 = tpu.memref_slice %arg7[%mul3A_166] : memref<5120xi32, #tpu.memory_space<vmem>> -> memref<80xi32, #tpu.memory_space<vmem>>
          %dma_start3A_168 = arith.constant 0 : i32
          %dma_start3A_169 = arith.constant 0 : i32
          %dma_start3A_170 = tpu.memref_slice %arg2[%dma_start3A_168, %dma_start3A_169] : memref<20224x128xf32, #tpu.memory_space<hbm>> -> memref<20224x128xf32, #tpu.memory_space<hbm>>
          tpu.enqueue_indirect_dma source(%dma_start3A_170 : memref<20224x128xf32, #tpu.memory_space<hbm>>) target(%arg10 : memref<80x128xf32, #tpu.memory_space<vmem>>) offsets(%dma_start3A_167 : memref<80xi32, #tpu.memory_space<vmem>>) semaphore(%arg14 : memref<!tpu.dma_semaphore, #tpu.memory_space<semaphore_mem>>)
        } else {
        }
        %scan3A_154 = arith.constant 0 : i32
        scf.yield %scan3A_154 : i32
      }
      %scan3A_75 = arith.constant 32 : i32
      %dma_wait3A = arith.constant 0 : i32
      %dma_wait3A_76 = arith.constant 0 : i32
      %dma_wait3A_77 = tpu.memref_slice %arg2[%dma_wait3A, %dma_wait3A_76] : memref<20224x128xf32, #tpu.memory_space<hbm>> -> memref<80x128xf32, #tpu.memory_space<hbm>>
      %dma_wait3A_78 = arith.constant 0 : i32
      %dma_wait3A_79 = arith.constant 0 : i32
      %dma_wait3A_80 = tpu.memref_slice %arg2[%dma_wait3A_78, %dma_wait3A_79] : memref<20224x128xf32, #tpu.memory_space<hbm>> -> memref<80x128xf32, #tpu.memory_space<hbm>>
      tpu.wait_dma2 semaphore(%arg17 : memref<!tpu.dma_semaphore, #tpu.memory_space<semaphore_mem>>) src(%dma_wait3A_80 : memref<80x128xf32, #tpu.memory_space<hbm>>) dst(%arg11 : memref<80x128xf32, #tpu.memory_space<vmem>>)
      %scan3A_81 = arith.constant 0 : i32
      scf.yield %scan3A_81 : i32
    }
    %scan3A_41 = arith.constant 2 : i32
    %barrier3A_42 = arith.constant 0 : index
    tpu.barrier barrier_id(%barrier3A_42)
    %mul3A_43 = arith.constant 10112 : i32
    %mul3A_44 = arith.muli %arg0, %mul3A_43 : i32
    %add3A_45 = arith.addi %mul3A_44, %mul3A_0 : i32
    "tpu.region"() ({
      %run_scoped3A = tpu.sem_alloc : memref<!tpu.dma_semaphore, #tpu.memory_space<semaphore_mem>>
      %dma_start3A = arith.constant 0 : i32
      %dma_start3A_53 = tpu.memref_slice %arg5[%add3A_45, %dma_start3A] : memref<20224x128xf32, #tpu.memory_space<hbm>> -> memref<632x128xf32, #tpu.memory_space<hbm>>
      %dma_start3A_54 = arith.constant 0 : i32
      %dma_start3A_55 = tpu.memref_slice %arg13[%mul3A_0, %dma_start3A_54] : memref<10112x128xf32, #tpu.memory_space<vmem_shared>> -> memref<632x128xf32, #tpu.memory_space<vmem_shared>>
      tpu.enqueue_dma source(%dma_start3A_55 : memref<632x128xf32, #tpu.memory_space<vmem_shared>>) target(%dma_start3A_53 : memref<632x128xf32, #tpu.memory_space<hbm>>) target_semaphore(%run_scoped3A : memref<!tpu.dma_semaphore, #tpu.memory_space<semaphore_mem>>)
      %dma_wait3A = arith.constant 0 : i32
      %dma_wait3A_56 = tpu.memref_slice %arg5[%add3A_45, %dma_wait3A] : memref<20224x128xf32, #tpu.memory_space<hbm>> -> memref<632x128xf32, #tpu.memory_space<hbm>>
      %dma_wait3A_57 = arith.constant 0 : i32
      %dma_wait3A_58 = tpu.memref_slice %arg13[%mul3A_0, %dma_wait3A_57] : memref<10112x128xf32, #tpu.memory_space<vmem_shared>> -> memref<632x128xf32, #tpu.memory_space<vmem_shared>>
      tpu.wait_dma2 semaphore(%run_scoped3A : memref<!tpu.dma_semaphore, #tpu.memory_space<semaphore_mem>>) src(%dma_wait3A_58 : memref<632x128xf32, #tpu.memory_space<vmem_shared>>) dst(%dma_wait3A_56 : memref<632x128xf32, #tpu.memory_space<hbm>>)
      tpu.yield
    }) : () -> ()
    %scan3A_46 = arith.constant 0 : i32
    %scan3A_47 = arith.constant 0 : i32
    %scan3A_48 = arith.constant 10 : i32
    %scan3A_49 = arith.addi %scan3A_47, %scan3A_48 : i32
    %scan3A_50 = arith.constant 1 : i32
    %scan3A_51 = scf.for %scan3A_53 = %scan3A_47 to %scan3A_49 step %scan3A_50 iter_args(%scan3A_54 = %scan3A_46) -> (i32)  : i32 {
      %mul3A_55 = arith.constant 8 : i32
      %mul3A_56 = arith.muli %mul3A_55, %scan3A_53 : i32
      "tpu.region"() ({
        %run_scoped3A = tpu.sem_alloc : memref<!tpu.dma_semaphore, #tpu.memory_space<semaphore_mem>>
        %dma_start3A = arith.constant 0 : i32
        %dma_start3A_58 = tpu.memref_slice %arg12[%mul3A_56, %dma_start3A] : memref<80x128xf32, #tpu.memory_space<vmem>> -> memref<8x128xf32, #tpu.memory_space<vmem>>
        %dma_start3A_59 = arith.constant 0 : i32
        %dma_start3A_60 = arith.constant 0 : i32
        %dma_start3A_61 = arith.constant 0 : i32
        %dma_start3A_62 = tpu.memref_slice %arg6[%scan3A_53, %dma_start3A_59, %dma_start3A_60, %dma_start3A_61] : memref<10x32x8x128xf32, #tpu.memory_space<hbm>> -> memref<1x32x8x128xf32, #tpu.memory_space<hbm>>
        %dma_start3A_63 = tpu.memref_squeeze %dma_start3A_62 : memref<1x32x8x128xf32, #tpu.memory_space<hbm>> -> memref<32x8x128xf32, #tpu.memory_space<hbm>>
        %dma_start3A_64 = arith.constant 0 : i32
        %dma_start3A_65 = arith.constant 0 : i32
        %dma_start3A_66 = tpu.memref_slice %dma_start3A_63[%add3A, %dma_start3A_64, %dma_start3A_65] : memref<32x8x128xf32, #tpu.memory_space<hbm>> -> memref<1x8x128xf32, #tpu.memory_space<hbm>>
        %dma_start3A_67 = tpu.memref_squeeze %dma_start3A_66 : memref<1x8x128xf32, #tpu.memory_space<hbm>> -> memref<8x128xf32, #tpu.memory_space<hbm>>
        %dma_start3A_68 = arith.constant 0 : i32
        %dma_start3A_69 = arith.constant 0 : i32
        %dma_start3A_70 = arith.constant 0 : i32
        %dma_start3A_71 = tpu.memref_slice %arg6[%scan3A_53, %dma_start3A_68, %dma_start3A_69, %dma_start3A_70] : memref<10x32x8x128xf32, #tpu.memory_space<hbm>> -> memref<1x32x8x128xf32, #tpu.memory_space<hbm>>
        %dma_start3A_72 = tpu.memref_squeeze %dma_start3A_71 : memref<1x32x8x128xf32, #tpu.memory_space<hbm>> -> memref<32x8x128xf32, #tpu.memory_space<hbm>>
        %dma_start3A_73 = arith.constant 0 : i32
        %dma_start3A_74 = arith.constant 0 : i32
        %dma_start3A_75 = tpu.memref_slice %dma_start3A_72[%add3A, %dma_start3A_73, %dma_start3A_74] : memref<32x8x128xf32, #tpu.memory_space<hbm>> -> memref<1x8x128xf32, #tpu.memory_space<hbm>>
        %dma_start3A_76 = tpu.memref_squeeze %dma_start3A_75 : memref<1x8x128xf32, #tpu.memory_space<hbm>> -> memref<8x128xf32, #tpu.memory_space<hbm>>
        %dma_start3A_77 = arith.constant 0 : i32
        %dma_start3A_78 = tpu.memref_slice %arg12[%mul3A_56, %dma_start3A_77] : memref<80x128xf32, #tpu.memory_space<vmem>> -> memref<8x128xf32, #tpu.memory_space<vmem>>
        tpu.enqueue_dma source(%dma_start3A_78 : memref<8x128xf32, #tpu.memory_space<vmem>>) target(%dma_start3A_76 : memref<8x128xf32, #tpu.memory_space<hbm>>) target_semaphore(%run_scoped3A : memref<!tpu.dma_semaphore, #tpu.memory_space<semaphore_mem>>)
        %dma_wait3A = arith.constant 0 : i32
        %dma_wait3A_79 = tpu.memref_slice %arg12[%mul3A_56, %dma_wait3A] : memref<80x128xf32, #tpu.memory_space<vmem>> -> memref<8x128xf32, #tpu.memory_space<vmem>>
        %dma_wait3A_80 = arith.constant 0 : i32
        %dma_wait3A_81 = arith.constant 0 : i32
        %dma_wait3A_82 = arith.constant 0 : i32
        %dma_wait3A_83 = tpu.memref_slice %arg6[%scan3A_53, %dma_wait3A_80, %dma_wait3A_81, %dma_wait3A_82] : memref<10x32x8x128xf32, #tpu.memory_space<hbm>> -> memref<1x32x8x128xf32, #tpu.memory_space<hbm>>
        %dma_wait3A_84 = tpu.memref_squeeze %dma_wait3A_83 : memref<1x32x8x128xf32, #tpu.memory_space<hbm>> -> memref<32x8x128xf32, #tpu.memory_space<hbm>>
        %dma_wait3A_85 = arith.constant 0 : i32
        %dma_wait3A_86 = arith.constant 0 : i32
        %dma_wait3A_87 = tpu.memref_slice %dma_wait3A_84[%add3A, %dma_wait3A_85, %dma_wait3A_86] : memref<32x8x128xf32, #tpu.memory_space<hbm>> -> memref<1x8x128xf32, #tpu.memory_space<hbm>>
        %dma_wait3A_88 = tpu.memref_squeeze %dma_wait3A_87 : memref<1x8x128xf32, #tpu.memory_space<hbm>> -> memref<8x128xf32, #tpu.memory_space<hbm>>
        %dma_wait3A_89 = arith.constant 0 : i32
        %dma_wait3A_90 = arith.constant 0 : i32
        %dma_wait3A_91 = arith.constant 0 : i32
        %dma_wait3A_92 = tpu.memref_slice %arg6[%scan3A_53, %dma_wait3A_89, %dma_wait3A_90, %dma_wait3A_91] : memref<10x32x8x128xf32, #tpu.memory_space<hbm>> -> memref<1x32x8x128xf32, #tpu.memory_space<hbm>>
        %dma_wait3A_93 = tpu.memref_squeeze %dma_wait3A_92 : memref<1x32x8x128xf32, #tpu.memory_space<hbm>> -> memref<32x8x128xf32, #tpu.memory_space<hbm>>
        %dma_wait3A_94 = arith.constant 0 : i32
        %dma_wait3A_95 = arith.constant 0 : i32
        %dma_wait3A_96 = tpu.memref_slice %dma_wait3A_93[%add3A, %dma_wait3A_94, %dma_wait3A_95] : memref<32x8x128xf32, #tpu.memory_space<hbm>> -> memref<1x8x128xf32, #tpu.memory_space<hbm>>
        %dma_wait3A_97 = tpu.memref_squeeze %dma_wait3A_96 : memref<1x8x128xf32, #tpu.memory_space<hbm>> -> memref<8x128xf32, #tpu.memory_space<hbm>>
        %dma_wait3A_98 = arith.constant 0 : i32
        %dma_wait3A_99 = tpu.memref_slice %arg12[%mul3A_56, %dma_wait3A_98] : memref<80x128xf32, #tpu.memory_space<vmem>> -> memref<8x128xf32, #tpu.memory_space<vmem>>
        tpu.wait_dma2 semaphore(%run_scoped3A : memref<!tpu.dma_semaphore, #tpu.memory_space<semaphore_mem>>) src(%dma_wait3A_99 : memref<8x128xf32, #tpu.memory_space<vmem>>) dst(%dma_wait3A_97 : memref<8x128xf32, #tpu.memory_space<hbm>>)
        tpu.yield
      }) : () -> ()
      %scan3A_57 = arith.constant 0 : i32
      scf.yield %scan3A_57 : i32
    }
    %scan3A_52 = arith.constant 10 : i32
    return
  }
}

module attributes {stable_mosaic.version = 14 : i64} {
  func.func @_pre_body(%arg0: i32, %arg1: memref<1000x256xf32, #tpu.memory_space<vmem>>, %arg2: memref<256x256xf32, #tpu.memory_space<vmem>>, %arg3: memref<2x1000x128xf32, #tpu.memory_space<vmem>>) attributes {dimension_semantics = [#tpu.dimension_semantics<arbitrary>], iteration_bounds = array<i64: 10>, scalar_prefetch = 0 : i64, scratch_operands = 0 : i64, tpu.core_type = #tpu.core_type<tc>, window_params = [{transform_indices = @transform_0, window_bounds = array<i64: 1000, 256>}, {pipeline_mode = #tpu.pipeline_mode<synchronous>, transform_indices = @transform_1, window_bounds = array<i64: 256, 256>}, {transform_indices = @transform_2, window_bounds = array<i64: 2, 1000, 128>}]} {
    %get3A = arith.constant 0 : index
    %get3A_0 = arith.constant 0 : index
    %get3A_1 = vector.load %arg1[%get3A, %get3A_0] : memref<1000x256xf32, #tpu.memory_space<vmem>>, vector<1000x256xf32>
    %get3A_2 = arith.constant 0 : index
    %get3A_3 = arith.constant 0 : index
    %get3A_4 = vector.load %arg2[%get3A_2, %get3A_3] : memref<256x256xf32, #tpu.memory_space<vmem>>, vector<256x256xf32>
    %dot_general3A = arith.constant dense<0.000000e+00> : vector<1000x256xf32>
    %dot_general3A_5 = tpu.matmul %get3A_1, %get3A_4, %dot_general3A {dimension_numbers = #tpu.dot_dimension_numbers<[1], [1], [0], [0], [0, 0, 1, 0], [], []>, transpose_lhs_hint = false} : vector<1000x256xf32>, vector<256x256xf32>, vector<1000x256xf32> -> vector<1000x256xf32>
    %max3A = arith.constant 0.000000e+00 : f32
    %max3A_6 = vector.broadcast %max3A : f32 to vector<1000x256xf32>
    %max3A_7 = arith.maximumf %dot_general3A_5, %max3A_6 : vector<1000x256xf32>
    %slice3A = vector.extract_strided_slice %max3A_7 {offsets = [0, 0], sizes = [1000, 128], strides = [1, 1]} : vector<1000x256xf32> to vector<1000x128xf32>
    %swap3A = arith.constant 0 : index
    %swap3A_8 = arith.constant 0 : index
    %swap3A_9 = arith.constant 0 : index
    %swap3A_10 = vector.load %arg3[%swap3A, %swap3A_8, %swap3A_9] : memref<2x1000x128xf32, #tpu.memory_space<vmem>>, vector<1x1000x128xf32>
    %swap3A_11 = vector.shape_cast %swap3A_10 : vector<1x1000x128xf32> to vector<1000x128xf32>
    %swap3A_12 = vector.shape_cast %slice3A : vector<1000x128xf32> to vector<1x1000x128xf32>
    tpu.vector_store %arg3[%swap3A, %swap3A_8, %swap3A_9], %swap3A_12 {strides = array<i32>} : memref<2x1000x128xf32, #tpu.memory_space<vmem>>, vector<1x1000x128xf32>,
    %slice3A_13 = vector.extract_strided_slice %max3A_7 {offsets = [0, 128], sizes = [1000, 128], strides = [1, 1]} : vector<1000x256xf32> to vector<1000x128xf32>
    %swap3A_14 = arith.constant 1 : index
    %swap3A_15 = arith.constant 0 : index
    %swap3A_16 = arith.constant 0 : index
    %swap3A_17 = vector.load %arg3[%swap3A_14, %swap3A_15, %swap3A_16] : memref<2x1000x128xf32, #tpu.memory_space<vmem>>, vector<1x1000x128xf32>
    %swap3A_18 = vector.shape_cast %swap3A_17 : vector<1x1000x128xf32> to vector<1000x128xf32>
    %swap3A_19 = vector.shape_cast %slice3A_13 : vector<1000x128xf32> to vector<1x1000x128xf32>
    tpu.vector_store %arg3[%swap3A_14, %swap3A_15, %swap3A_16], %swap3A_19 {strides = array<i32>} : memref<2x1000x128xf32, #tpu.memory_space<vmem>>, vector<1x1000x128xf32>,
    return
  }
  func.func @transform_0(%arg0: i32) -> (i32, i32) {
    %c0_i32 = arith.constant 0 : i32
    %c0_i32_0 = arith.constant 0 : i32
    return %arg0, %c0_i32 : i32, i32
  }
  func.func @transform_1(%arg0: i32) -> (i32, i32) {
    %c0_i32 = arith.constant 0 : i32
    %c0_i32_0 = arith.constant 0 : i32
    %c0_i32_1 = arith.constant 0 : i32
    return %c0_i32, %c0_i32_0 : i32, i32
  }
  func.func @transform_2(%arg0: i32) -> (i32, i32, i32) {
    %c0_i32 = arith.constant 0 : i32
    %c0_i32_0 = arith.constant 0 : i32
    %c0_i32_1 = arith.constant 0 : i32
    return %c0_i32, %arg0, %c0_i32_0 : i32, i32, i32
  }
}

module attributes {stable_mosaic.version = 14 : i64} {
  func.func @_post_body(%arg0: i32, %arg1: memref<1024x256xf32, #tpu.memory_space<vmem>>, %arg2: memref<2x1024x128xf32, #tpu.memory_space<vmem>>, %arg3: memref<1x32x8x128xf32, #tpu.memory_space<vmem>>, %arg4: memref<256x256xf32, #tpu.memory_space<vmem>>, %arg5: memref<1024x256xf32, #tpu.memory_space<vmem>>) attributes {dimension_semantics = [#tpu.dimension_semantics<arbitrary>], iteration_bounds = array<i64: 10>, scalar_prefetch = 0 : i64, scratch_operands = 0 : i64, tpu.core_type = #tpu.core_type<tc>, window_params = [{transform_indices = @transform_0, window_bounds = array<i64: 1024, 256>}, {transform_indices = @transform_1, window_bounds = array<i64: 2, 1024, 128>}, {transform_indices = @transform_2, window_bounds = array<i64: 1, 32, 8, 128>}, {pipeline_mode = #tpu.pipeline_mode<synchronous>, transform_indices = @transform_3, window_bounds = array<i64: 256, 256>}, {transform_indices = @transform_4, window_bounds = array<i64: 1024, 256>}]} {
    %get3A = arith.constant 0 : index
    %get3A_0 = arith.constant 0 : index
    %get3A_1 = arith.constant 0 : index
    %get3A_2 = arith.constant 0 : index
    %get3A_3 = vector.load %arg3[%get3A, %get3A_0, %get3A_1, %get3A_2] : memref<1x32x8x128xf32, #tpu.memory_space<vmem>>, vector<1x32x8x128xf32>
    %get3A_4 = vector.shape_cast %get3A_3 : vector<1x32x8x128xf32> to vector<32x8x128xf32>
    %reshape3A = vector.shape_cast %get3A_4 : vector<32x8x128xf32> to vector<256x128xf32>
    %iota3A = tpu.iota {dimensions = array<i32: 1>} : vector<8x256xi32>
    %jit3A = arith.constant 8 : i32
    %eq3A = arith.constant 0 : i32
    %eq3A_5 = arith.cmpi eq, %jit3A, %eq3A : i32
    %jit3A_6 = arith.constant 1 : i32
    %select_n3A = arith.select %eq3A_5, %jit3A_6, %jit3A : i32
    %rem3A = vector.broadcast %select_n3A : i32 to vector<8x256xi32>
    %rem3A_7 = arith.remsi %iota3A, %rem3A : vector<8x256xi32>
    %ne3A = arith.constant 0 : i32
    %ne3A_8 = vector.broadcast %ne3A : i32 to vector<8x256xi32>
    %ne3A_9 = arith.cmpi ne, %rem3A_7, %ne3A_8 : vector<8x256xi32>
    %lt3A = arith.constant 0 : i32
    %lt3A_10 = vector.broadcast %lt3A : i32 to vector<8x256xi32>
    %lt3A_11 = arith.cmpi slt, %rem3A_7, %lt3A_10 : vector<8x256xi32>
    %lt3A_12 = arith.constant 0 : i32
    %lt3A_13 = arith.cmpi slt, %select_n3A, %lt3A_12 : i32
    %ne3A_14 = vector.broadcast %lt3A_13 : i1 to vector<8x256xi1>
    %ne3A_15 = vector.broadcast %ne3A_14 : vector<8x256xi1> to vector<8x256xi1>
    %ne3A_16 = arith.xori %lt3A_11, %ne3A_15 : vector<8x256xi1>
    %and3A = arith.andi %ne3A_16, %ne3A_9 : vector<8x256xi1>
    %add3A = vector.broadcast %select_n3A : i32 to vector<8x256xi32>
    %add3A_17 = arith.addi %rem3A_7, %add3A : vector<8x256xi32>
    %select_n3A_18 = arith.select %and3A, %add3A_17, %rem3A_7 : vector<8x256xi1>, vector<8x256xi32>
    %iota3A_19 = tpu.iota {dimensions = array<i32: 0>} : vector<8x256xi32>
    %eq3A_20 = arith.cmpi eq, %select_n3A_18, %iota3A_19 : vector<8x256xi32>
    %convert_element_type3A = arith.extui %eq3A_20 : vector<8x256xi1> to vector<8x256xi32>
    %convert_element_type3A_21 = arith.sitofp %convert_element_type3A : vector<8x256xi32> to vector<8x256xf32>
    %dot_general3A = arith.constant dense<0.000000e+00> : vector<8x128xf32>
    %dot_general3A_22 = tpu.matmul %convert_element_type3A_21, %reshape3A, %dot_general3A {dimension_numbers = #tpu.dot_dimension_numbers<[1], [0], [0], [1], [0, 0, 1, 1], [], []>, transpose_lhs_hint = false} : vector<8x256xf32>, vector<256x128xf32>, vector<8x128xf32> -> vector<8x128xf32>
    %iota3A_23 = tpu.iota {dimensions = array<i32: 1>} : vector<1024x8xi32>
    %iota3A_24 = tpu.iota {dimensions = array<i32: 0>} : vector<1024x8xi32>
    %jit3A_25 = arith.constant 128 : i32
    %div3A = vector.broadcast %jit3A_25 : i32 to vector<1024x8xi32>
    %div3A_26 = arith.divsi %iota3A_24, %div3A : vector<1024x8xi32>
    %sign3A = arith.constant 0 : i32
    %sign3A_27 = vector.broadcast %sign3A : i32 to vector<1024x8xi32>
    %sign3A_28 = arith.cmpi sgt, %iota3A_24, %sign3A_27 : vector<1024x8xi32>
    %sign3A_29 = arith.extui %sign3A_28 : vector<1024x8xi1> to vector<1024x8xi32>
    %sign3A_30 = arith.constant 0 : i32
    %sign3A_31 = vector.broadcast %sign3A_30 : i32 to vector<1024x8xi32>
    %sign3A_32 = arith.cmpi slt, %iota3A_24, %sign3A_31 : vector<1024x8xi32>
    %sign3A_33 = arith.extui %sign3A_32 : vector<1024x8xi1> to vector<1024x8xi32>
    %sign3A_34 = arith.subi %sign3A_29, %sign3A_33 : vector<1024x8xi32>
    %sign3A_35 = arith.constant 0 : i32
    %sign3A_36 = arith.cmpi sgt, %jit3A_25, %sign3A_35 : i32
    %sign3A_37 = arith.extui %sign3A_36 : i1 to i32
    %sign3A_38 = arith.constant 0 : i32
    %sign3A_39 = arith.cmpi slt, %jit3A_25, %sign3A_38 : i32
    %sign3A_40 = arith.extui %sign3A_39 : i1 to i32
    %sign3A_41 = arith.subi %sign3A_37, %sign3A_40 : i32
    %ne3A_42 = vector.broadcast %sign3A_41 : i32 to vector<1024x8xi32>
    %ne3A_43 = arith.cmpi ne, %sign3A_34, %ne3A_42 : vector<1024x8xi32>
    %rem3A_44 = vector.broadcast %jit3A_25 : i32 to vector<1024x8xi32>
    %rem3A_45 = arith.remsi %iota3A_24, %rem3A_44 : vector<1024x8xi32>
    %ne3A_46 = arith.constant 0 : i32
    %ne3A_47 = vector.broadcast %ne3A_46 : i32 to vector<1024x8xi32>
    %ne3A_48 = arith.cmpi ne, %rem3A_45, %ne3A_47 : vector<1024x8xi32>
    %and3A_49 = arith.andi %ne3A_43, %ne3A_48 : vector<1024x8xi1>
    %sub3A = arith.constant 1 : i32
    %sub3A_50 = vector.broadcast %sub3A : i32 to vector<1024x8xi32>
    %sub3A_51 = arith.subi %div3A_26, %sub3A_50 : vector<1024x8xi32>
    %select_n3A_52 = arith.select %and3A_49, %sub3A_51, %div3A_26 : vector<1024x8xi1>, vector<1024x8xi32>
    %eq3A_53 = arith.cmpi eq, %iota3A_23, %select_n3A_52 : vector<1024x8xi32>
    %convert_element_type3A_54 = arith.extui %eq3A_53 : vector<1024x8xi1> to vector<1024x8xi32>
    %convert_element_type3A_55 = arith.sitofp %convert_element_type3A_54 : vector<1024x8xi32> to vector<1024x8xf32>
    %dot_general3A_56 = arith.constant dense<0.000000e+00> : vector<1024x128xf32>
    %dot_general3A_57 = tpu.matmul %convert_element_type3A_55, %dot_general3A_22, %dot_general3A_56 {dimension_numbers = #tpu.dot_dimension_numbers<[1], [0], [0], [1], [0, 0, 1, 1], [], []>, transpose_lhs_hint = false} : vector<1024x8xf32>, vector<8x128xf32>, vector<1024x128xf32> -> vector<1024x128xf32>
    %iota3A_58 = tpu.iota {dimensions = array<i32: 1>} : vector<1024x128xi32>
    %iota3A_59 = tpu.iota {dimensions = array<i32: 0>} : vector<1024x128xi32>
    %jit3A_60 = arith.constant 128 : i32
    %eq3A_61 = arith.constant 0 : i32
    %eq3A_62 = arith.cmpi eq, %jit3A_60, %eq3A_61 : i32
    %jit3A_63 = arith.constant 1 : i32
    %select_n3A_64 = arith.select %eq3A_62, %jit3A_63, %jit3A_60 : i32
    %rem3A_65 = vector.broadcast %select_n3A_64 : i32 to vector<1024x128xi32>
    %rem3A_66 = arith.remsi %iota3A_59, %rem3A_65 : vector<1024x128xi32>
    %ne3A_67 = arith.constant 0 : i32
    %ne3A_68 = vector.broadcast %ne3A_67 : i32 to vector<1024x128xi32>
    %ne3A_69 = arith.cmpi ne, %rem3A_66, %ne3A_68 : vector<1024x128xi32>
    %lt3A_70 = arith.constant 0 : i32
    %lt3A_71 = vector.broadcast %lt3A_70 : i32 to vector<1024x128xi32>
    %lt3A_72 = arith.cmpi slt, %rem3A_66, %lt3A_71 : vector<1024x128xi32>
    %lt3A_73 = arith.constant 0 : i32
    %lt3A_74 = arith.cmpi slt, %select_n3A_64, %lt3A_73 : i32
    %ne3A_75 = vector.broadcast %lt3A_74 : i1 to vector<1024x128xi1>
    %ne3A_76 = vector.broadcast %ne3A_75 : vector<1024x128xi1> to vector<1024x128xi1>
    %ne3A_77 = arith.xori %lt3A_72, %ne3A_76 : vector<1024x128xi1>
    %and3A_78 = arith.andi %ne3A_77, %ne3A_69 : vector<1024x128xi1>
    %add3A_79 = vector.broadcast %select_n3A_64 : i32 to vector<1024x128xi32>
    %add3A_80 = arith.addi %rem3A_66, %add3A_79 : vector<1024x128xi32>
    %select_n3A_81 = arith.select %and3A_78, %add3A_80, %rem3A_66 : vector<1024x128xi1>, vector<1024x128xi32>
    %eq3A_82 = arith.cmpi eq, %iota3A_58, %select_n3A_81 : vector<1024x128xi32>
    %convert_element_type3A_83 = arith.extui %eq3A_82 : vector<1024x128xi1> to vector<1024x128xi32>
    %convert_element_type3A_84 = arith.sitofp %convert_element_type3A_83 : vector<1024x128xi32> to vector<1024x128xf32>
    %mul3A = arith.mulf %dot_general3A_57, %convert_element_type3A_84 : vector<1024x128xf32>
    %broadcast_in_dim3A = arith.constant 1.000000e+00 : f32
    %broadcast_in_dim3A_85 = vector.broadcast %broadcast_in_dim3A : f32 to vector<128x1xf32>
    %dot_general3A_86 = arith.constant dense<0.000000e+00> : vector<1024x1xf32>
    %dot_general3A_87 = tpu.matmul %mul3A, %broadcast_in_dim3A_85, %dot_general3A_86 {dimension_numbers = #tpu.dot_dimension_numbers<[1], [0], [0], [1], [0, 0, 1, 1], [], []>, transpose_lhs_hint = false} : vector<1024x128xf32>, vector<128x1xf32>, vector<1024x1xf32> -> vector<1024x1xf32>
    %mul3A_88 = arith.constant 5.000000e-01 : f32
    %mul3A_89 = vector.broadcast %mul3A_88 : f32 to vector<1024x1xf32>
    %mul3A_90 = arith.mulf %dot_general3A_87, %mul3A_89 : vector<1024x1xf32>
    %max3A = arith.constant 1.000000e+00 : f32
    %max3A_91 = vector.broadcast %max3A : f32 to vector<1024x1xf32>
    %max3A_92 = arith.maximumf %mul3A_90, %max3A_91 : vector<1024x1xf32>
    %get3A_93 = arith.constant 0 : index
    %get3A_94 = arith.constant 0 : index
    %get3A_95 = arith.constant 0 : index
    %get3A_96 = vector.load %arg2[%get3A_93, %get3A_94, %get3A_95] : memref<2x1024x128xf32, #tpu.memory_space<vmem>>, vector<1x1024x128xf32>
    %get3A_97 = vector.shape_cast %get3A_96 : vector<1x1024x128xf32> to vector<1024x128xf32>
    %get3A_98 = arith.constant 1 : index
    %get3A_99 = arith.constant 0 : index
    %get3A_100 = arith.constant 0 : index
    %get3A_101 = vector.load %arg2[%get3A_98, %get3A_99, %get3A_100] : memref<2x1024x128xf32, #tpu.memory_space<vmem>>, vector<1x1024x128xf32>
    %get3A_102 = vector.shape_cast %get3A_101 : vector<1x1024x128xf32> to vector<1024x128xf32>
    %concatenate3A = tpu.concatenate %get3A_97, %get3A_102 in 1 : vector<1024x128xf32>, vector<1024x128xf32> -> vector<1024x256xf32>
    %div3A_103 = vector.broadcast %max3A_92 : vector<1024x1xf32> to vector<1024x256xf32>
    %div3A_104 = arith.divf %concatenate3A, %div3A_103 : vector<1024x256xf32>
    %get3A_105 = arith.constant 0 : index
    %get3A_106 = arith.constant 0 : index
    %get3A_107 = vector.load %arg1[%get3A_105, %get3A_106] : memref<1024x256xf32, #tpu.memory_space<vmem>>, vector<1024x256xf32>
    %get3A_108 = arith.constant 0 : index
    %get3A_109 = arith.constant 0 : index
    %get3A_110 = vector.load %arg4[%get3A_108, %get3A_109] : memref<256x256xf32, #tpu.memory_space<vmem>>, vector<256x256xf32>
    %dot_general3A_111 = arith.constant dense<0.000000e+00> : vector<1024x256xf32>
    %dot_general3A_112 = tpu.matmul %div3A_104, %get3A_110, %dot_general3A_111 {dimension_numbers = #tpu.dot_dimension_numbers<[1], [1], [0], [0], [0, 0, 1, 0], [], []>, transpose_lhs_hint = false} : vector<1024x256xf32>, vector<256x256xf32>, vector<1024x256xf32> -> vector<1024x256xf32>
    %add3A_113 = arith.addf %get3A_107, %dot_general3A_112 : vector<1024x256xf32>
    %max3A_114 = arith.constant 0.000000e+00 : f32
    %max3A_115 = vector.broadcast %max3A_114 : f32 to vector<1024x256xf32>
    %max3A_116 = arith.maximumf %add3A_113, %max3A_115 : vector<1024x256xf32>
    %mul3A_117 = arith.mulf %max3A_116, %max3A_116 : vector<1024x256xf32>
    %reduce_sum3A = arith.constant dense<0.000000e+00> : vector<1024xf32>
    %reduce_sum3A_118 = vector.multi_reduction <add>, %mul3A_117, %reduce_sum3A [1] : vector<1024x256xf32> to vector<1024xf32>
    %broadcast_in_dim3A_119 = vector.shape_cast %reduce_sum3A_118 : vector<1024xf32> to vector<1024x1xf32>
    %gt3A = arith.constant 0.000000e+00 : f32
    %gt3A_120 = vector.broadcast %gt3A : f32 to vector<1024x1xf32>
    %gt3A_121 = arith.cmpf ogt, %broadcast_in_dim3A_119, %gt3A_120 : vector<1024x1xf32>
    %rsqrt3A = math.rsqrt %broadcast_in_dim3A_119 : vector<1024x1xf32>
    %jit3A_122 = arith.constant 1.000000e+00 : f32
    %broadcast_in_dim3A_123 = vector.broadcast %jit3A_122 : f32 to vector<1024x1xf32>
    %select_n3A_124 = arith.select %gt3A_121, %rsqrt3A, %broadcast_in_dim3A_123 : vector<1024x1xi1>, vector<1024x1xf32>
    %mul3A_125 = vector.broadcast %select_n3A_124 : vector<1024x1xf32> to vector<1024x256xf32>
    %mul3A_126 = arith.mulf %max3A_116, %mul3A_125 : vector<1024x256xf32>
    %swap3A = arith.constant 0 : index
    %swap3A_127 = arith.constant 0 : index
    %swap3A_128 = vector.load %arg5[%swap3A, %swap3A_127] : memref<1024x256xf32, #tpu.memory_space<vmem>>, vector<1024x256xf32>
    tpu.vector_store %arg5[%swap3A, %swap3A_127], %mul3A_126 {strides = array<i32>} : memref<1024x256xf32, #tpu.memory_space<vmem>>, vector<1024x256xf32>,
    return
  }
  func.func @transform_0(%arg0: i32) -> (i32, i32) {
    %c0_i32 = arith.constant 0 : i32
    %c0_i32_0 = arith.constant 0 : i32
    return %arg0, %c0_i32 : i32, i32
  }
  func.func @transform_1(%arg0: i32) -> (i32, i32, i32) {
    %c0_i32 = arith.constant 0 : i32
    %c0_i32_0 = arith.constant 0 : i32
    %c0_i32_1 = arith.constant 0 : i32
    return %c0_i32, %arg0, %c0_i32_0 : i32, i32, i32
  }
  func.func @transform_2(%arg0: i32) -> (i32, i32, i32, i32) {
    %c0_i32 = arith.constant 0 : i32
    %c0_i32_0 = arith.constant 0 : i32
    %c0_i32_1 = arith.constant 0 : i32
    %c0_i32_2 = arith.constant 0 : i32
    return %arg0, %c0_i32, %c0_i32_0, %c0_i32_1 : i32, i32, i32, i32
  }
  func.func @transform_3(%arg0: i32) -> (i32, i32) {
    %c0_i32 = arith.constant 0 : i32
    %c0_i32_0 = arith.constant 0 : i32
    %c0_i32_1 = arith.constant 0 : i32
    return %c0_i32, %c0_i32_0 : i32, i32
  }
  func.func @transform_4(%arg0: i32) -> (i32, i32) {
    %c0_i32 = arith.constant 0 : i32
    %c0_i32_0 = arith.constant 0 : i32
    return %arg0, %c0_i32 : i32, i32
  }
}

module attributes {stable_mosaic.version = 14 : i64} {
  func.func @_self_body(%arg0: i32, %arg1: memref<1000x256xf32, #tpu.memory_space<vmem>>, %arg2: memref<256x256xf32, #tpu.memory_space<vmem>>, %arg3: memref<1000x256xf32, #tpu.memory_space<vmem>>) attributes {dimension_semantics = [#tpu.dimension_semantics<arbitrary>], iteration_bounds = array<i64: 10>, scalar_prefetch = 0 : i64, scratch_operands = 0 : i64, tpu.core_type = #tpu.core_type<tc>, window_params = [{transform_indices = @transform_0, window_bounds = array<i64: 1000, 256>}, {pipeline_mode = #tpu.pipeline_mode<synchronous>, transform_indices = @transform_1, window_bounds = array<i64: 256, 256>}, {transform_indices = @transform_2, window_bounds = array<i64: 1000, 256>}]} {
    %get3A = arith.constant 0 : index
    %get3A_0 = arith.constant 0 : index
    %get3A_1 = vector.load %arg1[%get3A, %get3A_0] : memref<1000x256xf32, #tpu.memory_space<vmem>>, vector<1000x256xf32>
    %get3A_2 = arith.constant 0 : index
    %get3A_3 = arith.constant 0 : index
    %get3A_4 = vector.load %arg2[%get3A_2, %get3A_3] : memref<256x256xf32, #tpu.memory_space<vmem>>, vector<256x256xf32>
    %dot_general3A = arith.constant dense<0.000000e+00> : vector<1000x256xf32>
    %dot_general3A_5 = tpu.matmul %get3A_1, %get3A_4, %dot_general3A {dimension_numbers = #tpu.dot_dimension_numbers<[1], [1], [0], [0], [0, 0, 1, 0], [], []>, transpose_lhs_hint = false} : vector<1000x256xf32>, vector<256x256xf32>, vector<1000x256xf32> -> vector<1000x256xf32>
    %swap3A = arith.constant 0 : index
    %swap3A_6 = arith.constant 0 : index
    %swap3A_7 = vector.load %arg3[%swap3A, %swap3A_6] : memref<1000x256xf32, #tpu.memory_space<vmem>>, vector<1000x256xf32>
    tpu.vector_store %arg3[%swap3A, %swap3A_6], %dot_general3A_5 {strides = array<i32>} : memref<1000x256xf32, #tpu.memory_space<vmem>>, vector<1000x256xf32>,
    return
  }
  func.func @transform_0(%arg0: i32) -> (i32, i32) {
    %c0_i32 = arith.constant 0 : i32
    %c0_i32_0 = arith.constant 0 : i32
    return %arg0, %c0_i32 : i32, i32
  }
  func.func @transform_1(%arg0: i32) -> (i32, i32) {
    %c0_i32 = arith.constant 0 : i32
    %c0_i32_0 = arith.constant 0 : i32
    %c0_i32_1 = arith.constant 0 : i32
    return %c0_i32, %c0_i32_0 : i32, i32
  }
  func.func @transform_2(%arg0: i32) -> (i32, i32) {
    %c0_i32 = arith.constant 0 : i32
    %c0_i32_0 = arith.constant 0 : i32
    return %arg0, %c0_i32 : i32, i32
  }
}

</mosaic_0001>

<sc_bundles>
// kernel: kernel.6.cloned.1.call-start
scs
__scs_entry_jumppad:
0x0: {  	(pc) =	sbr.rel $0x88, $3  }
0x1: {  	(tag) =	ssettag $0x0;
	lr =	simm.s32 $0x1  }
0x2: {  	[smem:$0x3F9B] =	sst lr;
	_ =	strace $0xD0000000  }
0x3: {  	_ = 	snop  }
0x4: {  	_ = 	snop  }
0x5: {  	_ = 	snop  }
0x6: {  	_ = 	snop  }
0x7: {  	_ = 	snop  }
__scs_overlays_trampoline_lowered:
0x8: {  	[smem:$0x3FAA] =	sst s0  }
0x9: {  	[smem:$0x3FAB] =	sst s1  }
0xa: {  	[smem:$0x3FAC] =	sst s2  }
0xb: {  	[smem:$0x3FAD] =	sst s3  }
0xc: {  	[smem:$0x3FAE] =	sst s4  }
0xd: {  	[smem:$0x3FAF] =	sst s5  }
0xe: {  	[smem:$0x3FB0] =	sst s6  }
0xf: {  	[smem:$0x3FB1] =	sst s7  }
0x10: {  	[smem:$0x3FB2] =	sst s8  }
0x11: {  	[smem:$0x3FB3] =	sst s9;
	s0 =	simm.s32 @!p0 $0x0  }
0x12: {  	s1 =	sld [smem:$0x3F99];
	s0 =	simm.s32 @p0 $0x1  }
0x13: {  	[smem:$0x3FB4] =	sst s0;
	s0 =	simm.s32 @!p1 $0x0  }
0x14: {  	s2 =	sld [smem:$0x3F98];
	s0 =	simm.s32 @p1 $0x1  }
0x15: {  	[smem:$0x3FB5] =	sst s0;
	s0 =	simm.s32 @!p2 $0x0  }
0x16: {  	s3 =	sld [smem:$0x3FDB];
	s0 =	simm.s32 @p2 $0x1  }
0x17: {  	s4 =	simm.s32 $0x1BF5;
	[smem:$0x3FB7] =	sst s0  }
0x18: {  	s0 =	sld [smem:$0x3F9A];
	_ =	swait.ge [sflag:s4], $0x0  }
0x19: {  	s7 =	sld [smem:$0x3F9B]  }
0x1a: {  	s8 =	sadd.s32 $0xFFFFE003, lr  }
0x1b: {  	s9 =	sadd.s32 $0xFFFFFEF7, lr;
	s5 =	simm.s32 $0xFFFFFFFF;
	p2 =	slt.u32 s8, $0xFFFFF086  }
0x1c: {  	p1 =	slt.u32 s9, $0xF7A;
	s5 =	simm.s32 @!p2 $0x0  }
0x1d: {  	s5 =	simm.s32 @p1 $0x1;
	p0 =	seq.s32 s7, s2  }
0x1e: {  	s7 =	smul.u32 @!p0 $0xF7A, s2;
	p2 =	seq.s32 @!p0 s5, $0x0  }
0x1f: {  	s9 =	smul.u32 $0xF7A, s1;
	s8 =	simm.s32 @!p0 $0x1BF5;
	p2 =	por !p2, p0  }
0x20: {  	[sflag:s8] =	ssyncset.s32 @!p0 $0xFFFFF086;
	s6 =	sadd.s32 @!p0 s3, s7;
	s7 =	simm.s32 @!p0 $0x108  }
0x21: {  	s3 =	sadd.s32 s3, s9;
	s6 =	sadd.s32 @!p0 $0x88, s6;
	s7 =	simm.s32 @p2 $0x1082  }
0x22: {  	[simem:s7], [sflag:s8] =	dma.local @!p0 [hbm:s6], $0xF7A  }
0x23: {  	s9 =	sor.u32 $0xD0000000, s2;
	s6 =	simm.s32 $0x108;
	_ =	swait.ge @!p0 [sflag:s8], $0x0  }
0x24: {  	s3 =	sadd.s32 $0x88, s3;
	s6 =	simm.s32 @!p1 $0x1082;
	[sflag:s4] =	ssyncset.s32 $0xFFFFF086  }
0x25: {  	[simem:s6], [sflag:s4] =	dma.local [hbm:s3], $0xF7A  }
0x26: {  	[smem:$0x3F9B] =	sst s1;
	(tag) =	ssettag s2;
	_ =	strace s9  }
0x27: {  	s1 =	sld [smem:$0x3FAB]  }
0x28: {  	s2 =	sld [smem:$0x3FAC]  }
0x29: {  	s4 =	sld [smem:$0x3FAE]  }
0x2a: {  	p0 =	seq.s32 s5, $0x0;
	s5 =	sld [smem:$0x3FAF]  }
0x2b: {  	s6 =	sld [smem:$0x3FB0]  }
0x2c: {  	s7 =	sld [smem:$0x3FB1]  }
0x2d: {  	s3 =	simm.s32 $0x108;
	s8 =	sld [smem:$0x3FB2]  }
0x2e: {  	s3 =	simm.s32 @!p0 $0x1082;
	s9 =	sld [smem:$0x3FB3]  }
0x2f: {  	lr =	sadd.s32 s0, s3;
	s0 =	sld [smem:$0x3FAA]  }
0x30: {  	s3 =	sld [smem:$0x3FAD]  }
0x31: {  	[smem:$0x3FB6] =	sst s10  }
0x32: {  	s10 =	sld [smem:$0x3FB4];
	_ =	sdelay $0x3  }
0x33: {  	p0 =	seq.s32 s10, $0x1;
	s10 =	sld [smem:$0x3FB6];
	_ =	sdelay $0x3  }
0x34: {  	[smem:$0x3FB6] =	sst s10  }
0x35: {  	s10 =	sld [smem:$0x3FB5];
	_ =	sdelay $0x3  }
0x36: {  	p1 =	seq.s32 s10, $0x1;
	s10 =	sld [smem:$0x3FB6];
	_ =	sdelay $0x3  }
0x37: {  	[smem:$0x3FB6] =	sst s10  }
0x38: {  	s10 =	sld [smem:$0x3FB7]  }
0x39: {  	_ = 	snop;
	(pc) =	sbr.ind lr, $3  }
0x3a: {  	_ = 	snop  }
0x3b: {  	_ = 	snop  }
0x3c: {  	p2 =	seq.s32 s10, $0x1;
	s10 =	sld [smem:$0x3FB6]  }
0x3d: {  	_ =	shalt  }
0x3e: {  	_ =	shalt  }
0x3f: {  	_ =	shalt  }
0x40: {  	_ =	shalt  }
0x41: {  	_ =	shalt  }
0x42: {  	_ =	shalt  }
0x43: {  	_ =	shalt  }
0x44: {  	_ =	shalt  }
0x45: {  	_ =	shalt  }
0x46: {  	_ =	shalt  }
0x47: {  	_ =	shalt  }
0x48: {  	_ =	shalt  }
0x49: {  	_ =	shalt  }
0x4a: {  	_ =	shalt  }
0x4b: {  	_ =	shalt  }
0x4c: {  	_ =	shalt  }
0x4d: {  	_ =	shalt  }
0x4e: {  	_ =	shalt  }
0x4f: {  	_ =	shalt  }
0x50: {  	_ =	shalt  }
0x51: {  	_ =	shalt  }
0x52: {  	_ =	shalt  }
0x53: {  	_ =	shalt  }
0x54: {  	_ =	shalt  }
0x55: {  	_ =	shalt  }
0x56: {  	_ =	shalt  }
0x57: {  	_ =	shalt  }
0x58: {  	_ =	shalt  }
0x59: {  	_ =	shalt  }
0x5a: {  	_ =	shalt  }
0x5b: {  	_ =	shalt  }
0x5c: {  	_ =	shalt  }
0x5d: {  	_ =	shalt  }
0x5e: {  	_ =	shalt  }
0x5f: {  	_ =	shalt  }
0x60: {  	_ =	shalt  }
0x61: {  	_ =	shalt  }
0x62: {  	_ =	shalt  }
0x63: {  	_ =	shalt  }
0x64: {  	_ =	shalt  }
0x65: {  	_ =	shalt  }
0x66: {  	_ =	shalt  }
0x67: {  	_ =	shalt  }
0x68: {  	_ =	shalt  }
0x69: {  	_ =	shalt  }
0x6a: {  	_ =	shalt  }
0x6b: {  	_ =	shalt  }
0x6c: {  	_ =	shalt  }
0x6d: {  	_ =	shalt  }
0x6e: {  	_ =	shalt  }
0x6f: {  	_ =	shalt  }
0x70: {  	_ =	shalt  }
0x71: {  	_ =	shalt  }
0x72: {  	_ =	shalt  }
0x73: {  	_ =	shalt  }
0x74: {  	_ =	shalt  }
0x75: {  	_ =	shalt  }
0x76: {  	_ =	shalt  }
0x77: {  	_ =	shalt  }
0x78: {  	_ =	shalt  }
0x79: {  	_ =	shalt  }
0x7a: {  	_ =	shalt  }
0x7b: {  	_ =	shalt  }
0x7c: {  	_ =	shalt  }
0x7d: {  	_ =	shalt  }
0x7e: {  	_ =	shalt  }
0x7f: {  	_ =	shalt  }
0x80: {  	_ =	shalt  }
0x81: {  	_ =	shalt  }
0x82: {  	_ =	shalt  }
0x83: {  	_ =	shalt  }
0x84: {  	_ =	shalt  }
0x85: {  	_ =	shalt  }
0x86: {  	_ =	shalt  }
0x87: {  	_ =	shalt  }
.Lfunc_end0:
.L_simem_size_0:
called_computation_lowered:
.L_overlay_start_0:
0x88: {  	s2 =	sld [smem:$0x3FD9]  }
0x89: {  	s3 =	sld [smem:$0x3FFE];
	_ =	sdelay $0x1  }
0x8a: {  	s1 =	srdreg.scid  }
0x8b: {  	s0 =	sand.u32 $0x1, s1  }
0x8c: {  	s17 =	sshll.u32 s0, $0xA;
	s2 =	sadd.s32 s3, s2  }
0x8d: {  	s2 =	sadd.s32 s2, s17  }
0x8e: {  	[smem:$0x3FC2] =	sst s2  }
0x8f: {  	_ = 	snop  }
0x90: {  	s2 =	sld [smem:$0x3FD0];
	(tm) =	ssettm $0x1  }
0x91: {  	s18 =	sld [smem:$0x3FFB];
	_ =	sdelay $0x3  }
0x92: {  	_ =	strace s18  }
0x93: {  	s3 =	sld [smem:$0x3FFC];
	_ =	sdelay $0x3  }
0x94: {  	_ =	strace s3  }
0x95: {  	s3 =	sld [smem:$0x3FFD];
	_ =	sdelay $0x3  }
0x96: {  	_ =	strace s3  }
0x97: {  	_ =	strace $0x8FFFFFFF  }
0x98: {  	s19 =	sld [smem:$0x3FDB];
	_ =	sdelay $0x1  }
0x99: {  	s4 =	simm.s32 $_scs_section_size  }
0x9a: {  	s5 =	simm.s32 $_size__tile_overlayer_lowered;
	s6 =	simm.s32 $_tile_overlayer_lowered  }
0x9b: {  	s22 =	simm.s32 $0x1BFF;
	s21 =	sshll.u32 s6, $0x1;
	s3 =	sadd.s32 s4, s19  }
0x9c: {  	s7 =	simm.s32 $0x0;
	s20 =	sshll.u32 s5, $0x1;
	s5 =	sadd.s32 s21, s3  }
0x9d: {  	[timem:s7], [sflag:s22] =	dma.local [hbm:s5], s20  }
0x9e: {  	_ =	swait.ge [sflag:s22], s20  }
0x9f: {  	s4 =	ssub.s32 $0x0, s20;
	[sflag:s22] =	ssyncset.done $0x0  }
0xa0: {  	[sflag:s22] =	ssyncadd.s32 s4;
	_ =	sdelay $0x1  }
0xa1: {  	s23 =	simm.s32 $0x1B8B  }
0xa2: {  	_ =	swait.ge [sflag:s23], $0x1  }
0xa3: {  	[sflag:s23] =	ssyncset.done $0x0  }
0xa4: {  	s25 =	simm.s32 $0x1B8E;
	s24 =	sld [smem:$0x3FFE];
	[sflag:s23] =	ssyncadd.s32 $0xFFFFFFFF  }
0xa5: {  	s26 =	simm.s32 $execute0_lowered;
	[smem:$0x3FD2] =	sst s25  }
0xa6: {  	s5 =	sshll.u32 s26, $0x1;
	_ =	strace $0x80000046;
	[dreg:$0x1] =	wrdreg $0xFFFFFFFF  }
0xa7: {  	s28 =	simm.s32 $_size_execute0_lowered;
	s3 =	sadd.s32 s3, s5;
	[dreg:$0x0] =	wrdreg $0x0  }
0xa8: {  	s5 =	sshll.u32 s28, $0x1;
	[dreg:$0x2] =	wrdreg s3  }
0xa9: {  	[dreg:$0x3] =	wrdreg s5  }
0xaa: {  	[dreg:$0x4] =	wrdreg $0xC0  }
0xab: {  	_ =	task [dreg:s7], $0x5FFFF  }
0xac: {  	[dreg:$0x1] =	wrdreg $0xFFFFFFFF  }
0xad: {  	[dreg:$0x0] =	wrdreg $0x60  }
0xae: {  	[dreg:$0x2] =	wrdreg s24  }
0xaf: {  	[dreg:$0x3] =	wrdreg s2  }
0xb0: {  	[dreg:$0x4] =	wrdreg $0x8D000  }
0xb1: {  	[dreg:$0x5] =	wrdreg $0x9  }
0xb2: {  	_ =	task.clear_ibuf [dreg:s7], $0x6FFFF;
	_ =	strace $0x90000046  }
0xb3: {  	s29 =	simm.s32 $0x9;
	_ =	strace $0x80000048  }
0xb4: {  	_ =	swait.ge [sflag:s29], $0x1  }
0xb5: {  	[sflag:s29] =	ssyncadd.s32 $0xFFFFFFFF  }
0xb6: {  	_ =	strace $0x90000048  }
0xb7: {  	_ =	sfence  }
0xb8: {  	s30 =	sld [smem:$0x0];
	_ =	sdelay $0x2  }
0xb9: {  	s31 =	sshll.u32 s1, $0xD;
	s1 =	sshrl.u32 s1, $0x2  }
0xba: {  	s3 =	sand.u32 $0x4000, s31;
	s1 =	sadd.s32 s1, s30  }
0xbb: {  	s0 =	sor.u32 s3, s0;
	s1 =	sshll.u32 s1, $0x11  }
0xbc: {  	s0 =	sor.u32 s1, s0  }
0xbd: {  	s0 =	sadd.s32 $0x8F2B, s0  }
0xbe: {  	[sflag:s0] =	ssyncadd.remote.s32 $0x1  }
0xbf: {  	_ =	sfence.sel $0xFFFF  }
0xc0: {  	[dreg:$0x0] =	wrdreg $0xFFFFFFFF;
	(pc) =	sbr.abs _section_cstart, $3  }
0xc1: {  	[dreg:$0x1] =	wrdreg $0xFFFFFFFF  }
0xc2: {  	_ =	task.clear_ibuf [dreg:s7], $0x2FFFF;
	_ =	strace $0x9FFFFFFF  }
0xc3: {  	(tm) =	ssettm $0x7FFFFFFF  }
tec
execute0_lowered:
.L_overlay_start_1:
0x0: {  	(tag) =	ssettag $0x1  }
0x1: {  	s0 =	rddreg [dreg:$0x0]  }
0x2: {  	s2 =	rddreg [dreg:$0x1];
	s1 =	srdreg.scid  }
0x3: {  	s14 =	stileid.u32;
	s3 =	rddreg [dreg:$0x2]  }
0x4: {  	s4 =	simm.s32 $0x0;
	s1 =	sand.u32 $0x1, s1;
	s5 =	smul.u32 $0x278, s14  }
0x5: {  	[smem:$0x7FF] =	sst s4;
	s8 =	smul.u32 $0x4F000, s14;
	s12 =	sadd.s32 $0xA4C00, s0  }
0x6: {  	s21 =	sshll.u32 s14, $0x8;
	s25 =	sadd.s32 $0xA5C00, s0;
	s26 =	sadd.s32 $0xA6C00, s0  }
0x7: {  	s28 =	sadd.s32 $0xA7C00, s0;
	s29 =	sadd.s32 $0xA8C00, s0;
	s15 =	sadd.s32 $0xA9C00, s0  }
0x8: {  	s16 =	sadd.s32 $0xAAC00, s0;
	s17 =	sadd.s32 $0xABC00, s0;
	s6 =	smul.u32 $0x2780, s1  }
0x9: {  	_ =	strace $0x80000047;
	s9 =	ssub.s32 $0x2, s1;
	s19 =	sshll.u32 s1, $0x4  }
0xa: {  	s1 =	sshll.u32 s1, $0x7;
	s18 =	sshrl.u32 s8, $0x2;
	s10 =	sshrl.u32 s9, $0x1  }
0xb: {  	s8 =	sor.u32 s14, s19;
	s1 =	sor.u32 s1, s21;
	s6 =	sadd.s32 s5, s6  }
0xc: {  	s5 =	sadd.s32 $0x6C00, s0;
	s13 =	ssub.s32 s9, s10;
	s9 =	smul.u32 $0x2800, s8  }
0xd: {  	s10 =	smul.u32 $0x2800, s14;
	s12 =	sadd.s32 s12, s1;
	s8 =	sadd.s32 s25, s1  }
0xe: {  	s19 =	sadd.s32 s28, s1;
	s21 =	sadd.s32 s15, s1;
	[dreg:$0x9] =	wrdreg s12  }
0xf: {  	s14 =	simm.s32 $0x6500;
	s15 =	simm.s32 $0x1480;
	[dreg:$0xa] =	wrdreg s8  }
0x10: {  	s7 =	sshll.u32 s6, $0x4;
	s6 =	sadd.s32 $0x1C00, s0;
	[dreg:$0xc] =	wrdreg s19  }
0x11: {  	s22 =	smax.u32 s13, $0x1;
	s12 =	sadd.s32 s26, s1;
	[dreg:$0xe] =	wrdreg s21  }
0x12: {  	s8 =	simm.s32 $0x1400;
	s13 =	simm.s32 $0x5;
	s19 =	simm.s32 $0x3  }
0x13: {  	s21 =	simm.s32 $0x4;
	s11 =	sadd.s32 s7, s0;
	[dreg:$0x6] =	wrdreg s22  }
0x14: {  	s7 =	sadd.s32 s18, s3;
	[dreg:$0xb] =	wrdreg s12;
	s22 =	sadd.s32 s16, s1  }
0x15: {  	s18 =	sadd.s32 $0xACC00, s0;
	s20 =	sadd.s32 $0x11800, s7;
	[dreg:$0xf] =	wrdreg s22  }
0x16: {  	s0 =	sadd.s32 $0xADC00, s0;
	s11 =	sadd.s32 $0x55C00, s11;
	[dreg:$0x4] =	wrdreg s20  }
0x17: {  	s30 =	sor.u32 $0x140, s10;
	s23 =	sadd.s32 $0x2800, s7;
	[dreg:$0x5] =	wrdreg s11  }
0x18: {  	s31 =	sor.u32 $0xF0, s10;
	s24 =	sadd.s32 $0x5000, s7;
	[dreg:$0x7] =	wrdreg s23  }
0x19: {  	s12 =	simm.s32 $0x1;
	s0 =	sadd.s32 s0, s1;
	[dreg:$0x8] =	wrdreg s24  }
0x1a: {  	s16 =	simm.s32 $0x3D00;
	s25 =	sadd.s32 $0x7800, s7;
	[dreg:$0x12] =	wrdreg s0  }
0x1b: {  	s26 =	sadd.s32 $0xA000, s7;
	s28 =	sadd.s32 $0xC800, s7;
	[dreg:$0x13] =	wrdreg s25  }
0x1c: {  	s22 =	simm.s32 $0x0;
	s20 =	sadd.s32 s29, s1;
	[dreg:$0x14] =	wrdreg s26  }
.Ltmp0:
0x1d: {  	s23 =	sadd.s32 s17, s1;
	[dreg:$0x15] =	wrdreg s28;
	(pc) =	sbr.rel .LBB2_1-.Ltmp0, $4  }
0x1e: {  	s24 =	sadd.s32 s18, s1;
	s29 =	sadd.s32 $0xF000, s7;
	[dreg:$0xd] =	wrdreg s20  }
0x1f: {  	s1 =	simm.s32 $0x1500;
	s0 =	simm.s32 $0x7;
	[dreg:$0x10] =	wrdreg s23  }
0x20: {  	s11 =	simm.s32 $0x50;
	s17 =	simm.s32 $0x2;
	[dreg:$0x11] =	wrdreg s24  }
0x21: {  	v0 =	vimm.f32 $0.0e+00;
	v1 =	vimm.f32 $1.000000000e+00;
	s18 =	simm.s32 $0x6;
	[dreg:$0x16] =	wrdreg s29;
	s20 =	simm.s32 $0xA0  }
.LBB2_10:
0x22: {  	s23 =	stileid.u32  }
0x23: {  	[bflag:$0x0] =	sbarrier.arrive $0xFFFF;
	s23 =	sshll.u32 s23, $0x6  }
0x24: {  	s24 =	sshrl.u32 s7, $0x3;
	s25 =	rddreg [dreg:$0x5];
	s23 =	sor.u32 $0x1C07, s23  }
0x25: {  	[hbm:s25], [sflag:s23] =	dma.local [spmem:s24], $0x2780  }
0x26: {  	_ =	swait.ge [sflag:s0], $0x2780  }
0x27: {  	[sflag:s0] =	ssyncset.done $0x0  }
0x28: {  	s26 =	rddreg [dreg:$0x9];
	[sflag:s0] =	ssyncadd.s32 $0xFFFFD880  }
0x29: {  	[hbm4b:s26+s4] =	stream.linear.scatter [tilespmem:s14], [sflag:$0x7], $0x400, $0x38;
	[tilespmem:$0x1C900] =	vst v63  }
0x2a: {  	_ =	swait.ge [sflag:s0], $0x400  }
0x2b: {  	[sflag:s0] =	ssyncset.done $0x0  }
0x2c: {  	s29 =	simm.s32 $0x6900;
	s28 =	rddreg [dreg:$0xa];
	[sflag:s0] =	ssyncadd.s32 $0xFFFFFC00  }
0x2d: {  	[hbm4b:s28+s4] =	stream.linear.scatter [tilespmem:s29], [sflag:$0x7], $0x400, $0x38;
	[tilespmem:$0x1C900] =	vst v63  }
0x2e: {  	_ =	swait.ge [sflag:s0], $0x400  }
0x2f: {  	[sflag:s0] =	ssyncset.done $0x0  }
0x30: {  	s26 =	simm.s32 $0x6D00;
	s25 =	rddreg [dreg:$0xb];
	[sflag:s0] =	ssyncadd.s32 $0xFFFFFC00  }
0x31: {  	[hbm4b:s25+s4] =	stream.linear.scatter [tilespmem:s26], [sflag:$0x7], $0x400, $0x38;
	[tilespmem:$0x1C900] =	vst v63  }
0x32: {  	_ =	swait.ge [sflag:s0], $0x400  }
0x33: {  	[sflag:s0] =	ssyncset.done $0x0  }
0x34: {  	s29 =	simm.s32 $0x7100;
	s28 =	rddreg [dreg:$0xc];
	[sflag:s0] =	ssyncadd.s32 $0xFFFFFC00  }
0x35: {  	[hbm4b:s28+s4] =	stream.linear.scatter [tilespmem:s29], [sflag:$0x7], $0x400, $0x38;
	[tilespmem:$0x1C900] =	vst v63  }
0x36: {  	_ =	swait.ge [sflag:s0], $0x400  }
0x37: {  	[sflag:s0] =	ssyncset.done $0x0  }
0x38: {  	s26 =	simm.s32 $0x7500;
	s25 =	rddreg [dreg:$0xd];
	[sflag:s0] =	ssyncadd.s32 $0xFFFFFC00  }
0x39: {  	[hbm4b:s25+s4] =	stream.linear.scatter [tilespmem:s26], [sflag:$0x7], $0x400, $0x38;
	[tilespmem:$0x1C900] =	vst v63  }
0x3a: {  	_ =	swait.ge [sflag:s0], $0x400  }
0x3b: {  	[sflag:s0] =	ssyncset.done $0x0  }
0x3c: {  	s29 =	simm.s32 $0x7900;
	s28 =	rddreg [dreg:$0xe];
	[sflag:s0] =	ssyncadd.s32 $0xFFFFFC00  }
0x3d: {  	[hbm4b:s28+s4] =	stream.linear.scatter [tilespmem:s29], [sflag:$0x7], $0x400, $0x38;
	[tilespmem:$0x1C900] =	vst v63  }
0x3e: {  	_ =	swait.ge [sflag:s0], $0x400  }
0x3f: {  	[sflag:s0] =	ssyncset.done $0x0  }
0x40: {  	s26 =	simm.s32 $0x7D00;
	s25 =	rddreg [dreg:$0xf];
	[sflag:s0] =	ssyncadd.s32 $0xFFFFFC00  }
0x41: {  	[hbm4b:s25+s4] =	stream.linear.scatter [tilespmem:s26], [sflag:$0x7], $0x400, $0x38;
	[tilespmem:$0x1C900] =	vst v63  }
0x42: {  	_ =	swait.ge [sflag:s0], $0x400  }
0x43: {  	[sflag:s0] =	ssyncset.done $0x0  }
0x44: {  	s29 =	simm.s32 $0x8100;
	s28 =	rddreg [dreg:$0x10];
	[sflag:s0] =	ssyncadd.s32 $0xFFFFFC00  }
0x45: {  	[hbm4b:s28+s4] =	stream.linear.scatter [tilespmem:s29], [sflag:$0x7], $0x400, $0x38;
	[tilespmem:$0x1C900] =	vst v63  }
0x46: {  	_ =	swait.ge [sflag:s0], $0x400  }
0x47: {  	[sflag:s0] =	ssyncset.done $0x0  }
0x48: {  	s25 =	simm.s32 $0x8500;
	s24 =	rddreg [dreg:$0x11];
	[sflag:s0] =	ssyncadd.s32 $0xFFFFFC00  }
0x49: {  	[hbm4b:s24+s4] =	stream.linear.scatter [tilespmem:s25], [sflag:$0x7], $0x400, $0x38;
	[tilespmem:$0x1C900] =	vst v63  }
0x4a: {  	_ =	swait.ge [sflag:s0], $0x400  }
0x4b: {  	[sflag:s0] =	ssyncset.done $0x0  }
0x4c: {  	s28 =	simm.s32 $0x8900;
	s26 =	rddreg [dreg:$0x12];
	[sflag:s0] =	ssyncadd.s32 $0xFFFFFC00  }
0x4d: {  	[hbm4b:s26+s4] =	stream.linear.scatter [tilespmem:s28], [sflag:$0x7], $0x400, $0x38;
	[tilespmem:$0x1C900] =	vst v63  }
0x4e: {  	_ =	swait.ge [sflag:s0], $0x400  }
0x4f: {  	s22 =	sadd.s32 $0x1, s22;
	s29 =	rddreg [dreg:$0x6]  }
0x50: {  	p0 =	sne.s32 s22, s29  }
.Ltmp1:
0x51: {  	_ = 	snop;
	(pc) =	sbr.rel @!p0 .LBB2_11-.Ltmp1, $3  }
0x52: {  	_ =	sdelay $0x1  }
0x53: {  	[sflag:s0] =	ssyncset.done $0x0  }
0x54: {  	[sflag:s0] =	ssyncadd.s32 $0xFFFFFC00  }
.LBB2_1:
0x55: {  	s23 =	simm.s32 $0x0;
	s24 =	simm.s32 $0x0  }
.LBB2_2:
0x56: {  	p0 =	sne.s32 s24, $0x9FC0  }
.Ltmp2:
0x57: {  	_ = 	snop;
	(pc) =	sbr.rel @p0 .LBB2_2-.Ltmp2, $4  }
0x58: {  	s25 =	sand.u32 $0xFE00, s24  }
0x59: {  	s26 =	sand.u32 $0x70, s23;
	s25 =	sshrl.u32 s25, $0x2  }
0x5a: {  	s25 =	sor.u32 s26, s25  }
0x5b: {  	s23 =	sadd.s32 $0x10, s23;
	s24 =	sadd.s32 $0x40, s24;
	[tilespmem:s25+$0x6500] =	vst v0  }
0x5c: {  	s23 =	simm.s32 $0x0  }
0x5d: {  	s24 =	sand.u32 $0xFE00, s23  }
0x5e: {  	s25 =	sand.u32 $0x70, s23;
	s26 =	sshrl.u32 s24, $0x2  }
0x5f: {  	s24 =	simm.s32 $0x40;
	s25 =	sor.u32 s25, s26  }
.LBB2_4:
0x60: {  	p0 =	sne.s32 s24, $0x9FC0  }
0x61: {  	[tilespmem:s25+$0x1500] =	vst v0;
	s23 =	sadd.s32 $0x10, s23;
	s25 =	smov.u32 s24;
	s24 =	sadd.s32 $0x40, s24  }
.Ltmp3:
0x62: {  	(pc) =	sbr.rel @p0 .LBB2_4-.Ltmp3, $4  }
0x63: {  	_ = 	snop  }
0x64: {  	s25 =	sand.u32 $0xFE00, s25  }
0x65: {  	s26 =	sand.u32 $0x70, s23;
	s25 =	sshrl.u32 s25, $0x2  }
0x66: {  	s25 =	sor.u32 s26, s25  }
0x67: {  	[tilespmem:s25+$0x1500] =	vst v0  }
0x68: {  	[spmem:s7] =	stream.linear.scatter [tilespmem:s1], [sflag:$0x7], $0x2800, $0x38;
	[tilespmem:$0x1C900] =	vst v63  }
0x69: {  	_ =	swait.ge [sflag:s0], $0x2800  }
0x6a: {  	[sflag:s0] =	ssyncset.done $0x0  }
0x6b: {  	s23 =	rddreg [dreg:$0x7];
	[sflag:s0] =	ssyncadd.s32 $0xFFFFD800  }
0x6c: {  	[spmem:s23] =	stream.linear.scatter [tilespmem:s1], [sflag:$0x7], $0x2800, $0x38;
	[tilespmem:$0x1C900] =	vst v63  }
0x6d: {  	_ =	swait.ge [sflag:s0], $0x2800  }
0x6e: {  	[sflag:s0] =	ssyncset.done $0x0  }
0x6f: {  	s29 =	rddreg [dreg:$0x8];
	[sflag:s0] =	ssyncadd.s32 $0xFFFFD800  }
0x70: {  	[spmem:s29] =	stream.linear.scatter [tilespmem:s1], [sflag:$0x7], $0x2800, $0x38;
	[tilespmem:$0x1C900] =	vst v63  }
0x71: {  	_ =	swait.ge [sflag:s0], $0x2800  }
0x72: {  	[sflag:s0] =	ssyncset.done $0x0  }
0x73: {  	s24 =	rddreg [dreg:$0x13];
	[sflag:s0] =	ssyncadd.s32 $0xFFFFD800  }
0x74: {  	[spmem:s24] =	stream.linear.scatter [tilespmem:s1], [sflag:$0x7], $0x2800, $0x38;
	[tilespmem:$0x1C900] =	vst v63  }
0x75: {  	_ =	swait.ge [sflag:s0], $0x2800  }
0x76: {  	[sflag:s0] =	ssyncset.done $0x0  }
0x77: {  	s25 =	rddreg [dreg:$0x14];
	[sflag:s0] =	ssyncadd.s32 $0xFFFFD800  }
0x78: {  	[spmem:s25] =	stream.linear.scatter [tilespmem:s1], [sflag:$0x7], $0x2800, $0x38;
	[tilespmem:$0x1C900] =	vst v63  }
0x79: {  	_ =	swait.ge [sflag:s0], $0x2800  }
0x7a: {  	[sflag:s0] =	ssyncset.done $0x0  }
0x7b: {  	s26 =	rddreg [dreg:$0x15];
	[sflag:s0] =	ssyncadd.s32 $0xFFFFD800  }
0x7c: {  	[spmem:s26] =	stream.linear.scatter [tilespmem:s1], [sflag:$0x7], $0x2800, $0x38;
	[tilespmem:$0x1C900] =	vst v63  }
0x7d: {  	_ =	swait.ge [sflag:s0], $0x2800  }
0x7e: {  	[sflag:s0] =	ssyncset.done $0x0  }
0x7f: {  	s28 =	rddreg [dreg:$0x16];
	[sflag:s0] =	ssyncadd.s32 $0xFFFFD800  }
0x80: {  	[spmem:s28] =	stream.linear.scatter [tilespmem:s1], [sflag:$0x7], $0x2800, $0x38;
	[tilespmem:$0x1C900] =	vst v63  }
0x81: {  	_ =	swait.ge [sflag:s0], $0x2800  }
0x82: {  	[sflag:s0] =	ssyncset.done $0x0  }
0x83: {  	s29 =	rddreg [dreg:$0x4];
	[sflag:s0] =	ssyncadd.s32 $0xFFFFD800  }
0x84: {  	[spmem:s29] =	stream.linear.scatter [tilespmem:s1], [sflag:$0x7], $0x2400, $0x38;
	[tilespmem:$0x1C900] =	vst v63  }
.Ltmp4:
0x85: {  	_ =	swait.ge [sflag:s0], $0x2400;
	(pc) =	sbr.rel .LBB2_6-.Ltmp4, $4  }
0x86: {  	[sflag:s0] =	ssyncset.done $0x0  }
0x87: {  	[sflag:s0] =	ssyncadd.s32 $0xFFFFDC00  }
0x88: {  	[bflag:$0x0] =	sbarrier.arrive $0xFFFF  }
0x89: {  	p0 =	por $0x1, $0x1;
	s23 =	simm.s32 $0x0;
	s24 =	simm.s32 $0x0  }
.LBB2_9:
.Ltmp5:
0x8a: {  	(pc) =	sbr.rel @!p1 .LBB2_10-.Ltmp5, $4  }
0x8b: {  	_ = 	snop  }
0x8c: {  	_ =	swait.ge [sflag:s21], $0x2800  }
0x8d: {  	[sflag:s21] =	ssyncset.done $0x0  }
0x8e: {  	s24 =	simm.s32 $0x1400;
	p0 =	por $0x0, $0x0;
	[sflag:s21] =	ssyncadd.s32 $0xFFFFD800  }
.LBB2_6:
0x8f: {  	s25 =	sadd.s32 s9, s24  }
0x90: {  	s25 =	sshrl.u32 s25, $0x3  }
0x91: {  	s25 =	sadd.s32 s2, s25  }
0x92: {  	[tilespmem:s23], [sflag:$0x7] =	stream.linear.gather [hbm4b:s25+s23], $0x1400, $0x38;
	[tilespmem:$0x1C900] =	vst v63  }
0x93: {  	s29 =	sadd.s32 s10, s24;
	_ =	swait.ge [sflag:s0], $0x1400  }
0x94: {  	s25 =	sshrl.u32 s29, $0x3;
	[sflag:s0] =	ssyncset.done $0x0  }
0x95: {  	s25 =	sadd.s32 s6, s25;
	[sflag:s0] =	ssyncadd.s32 $0xFFFFEC00  }
0x96: {  	[tilespmem:s8], [sflag:$0x5] =	stream.linear.gather [hbm4b:s25+s23], $0x50, $0x38;
	[tilespmem:$0x1C900] =	vst v63  }
0x97: {  	_ = 	snop  }
0x98: {  	[tilespmem:s1], [sflag:$0x1] =	stream.indirect.gather [hbm4b:s5+s11], $0x80, s23, s11, $0xb8;
	[tilespmem:$0x1C900] =	vst v63  }
0x99: {  	_ =	swait.ge [sflag:s12], $0x2800  }
0x9a: {  	[sflag:s12] =	ssyncset.done $0x0  }
0x9b: {  	[sflag:s12] =	ssyncadd.s32 $0xFFFFD800  }
0x9c: {  	_ =	swait.ge [sflag:s13], $0x50  }
0x9d: {  	[sflag:s13] =	ssyncset.done $0x0  }
0x9e: {  	[sflag:s13] =	ssyncadd.s32 $0xFFFFFFB0  }
0x9f: {  	[spmem:s3] =	stream.indirect.scatter.add.f32 [tilespmem:s1], [sflag:$0x3], $0x80, s8, s11, $0xb8;
	[tilespmem:$0x1C900] =	vst v63  }
0xa0: {  	v2 =	vld [tilespmem:$0x1400];
	_ =	sdelay $0x7  }
0xa1: {  	[tilespmem:v2+s14+$0x0] =	vst.idx.add.f32.msk $0xffff, v1  }
0xa2: {  	v2 =	vld [tilespmem:$0x1410];
	_ =	sdelay $0x7  }
0xa3: {  	[tilespmem:v2+s14+$0x0] =	vst.idx.add.f32.msk $0xffff, v1  }
0xa4: {  	v2 =	vld [tilespmem:$0x1420];
	_ =	sdelay $0x7  }
0xa5: {  	[tilespmem:v2+s14+$0x0] =	vst.idx.add.f32.msk $0xffff, v1  }
0xa6: {  	v2 =	vld [tilespmem:$0x1430];
	_ =	sdelay $0x7  }
0xa7: {  	[tilespmem:v2+s14+$0x0] =	vst.idx.add.f32.msk $0xffff, v1  }
0xa8: {  	v2 =	vld [tilespmem:$0x1440];
	_ =	sdelay $0x7  }
0xa9: {  	s26 =	sadd.s32 $0xA, s25;
	[tilespmem:v2+s14+$0x0] =	vst.idx.add.f32.msk $0xffff, v1  }
0xaa: {  	[tilespmem:s15], [sflag:$0x6] =	stream.linear.gather [hbm4b:s26+s23], $0x50, $0x38;
	[tilespmem:$0x1C900] =	vst v63  }
0xab: {  	_ = 	snop  }
0xac: {  	[tilespmem:s16], [sflag:$0x2] =	stream.indirect.gather [hbm4b:s5+s11], $0x80, s11, s11, $0xb8;
	[tilespmem:$0x1C900] =	vst v63  }
0xad: {  	_ =	swait.ge [sflag:s17], $0x2800  }
0xae: {  	[sflag:s17] =	ssyncset.done $0x0  }
0xaf: {  	[sflag:s17] =	ssyncadd.s32 $0xFFFFD800  }
0xb0: {  	_ =	swait.ge [sflag:s18], $0x50  }
0xb1: {  	[sflag:s18] =	ssyncset.done $0x0  }
0xb2: {  	[sflag:s18] =	ssyncadd.s32 $0xFFFFFFB0  }
0xb3: {  	[spmem:s3] =	stream.indirect.scatter.add.f32 [tilespmem:s16], [sflag:$0x4], $0x80, s15, s11, $0xb8;
	[tilespmem:$0x1C900] =	vst v63  }
0xb4: {  	v2 =	vld [tilespmem:$0x1480];
	_ =	sdelay $0x7  }
0xb5: {  	[tilespmem:v2+s14+$0x0] =	vst.idx.add.f32.msk $0xffff, v1  }
0xb6: {  	v2 =	vld [tilespmem:$0x1490];
	_ =	sdelay $0x7  }
0xb7: {  	[tilespmem:v2+s14+$0x0] =	vst.idx.add.f32.msk $0xffff, v1  }
0xb8: {  	v2 =	vld [tilespmem:$0x14A0];
	_ =	sdelay $0x7  }
0xb9: {  	[tilespmem:v2+s14+$0x0] =	vst.idx.add.f32.msk $0xffff, v1  }
0xba: {  	v2 =	vld [tilespmem:$0x14B0];
	_ =	sdelay $0x7  }
0xbb: {  	[tilespmem:v2+s14+$0x0] =	vst.idx.add.f32.msk $0xffff, v1  }
0xbc: {  	v2 =	vld [tilespmem:$0x14C0];
	_ =	sdelay $0x7  }
0xbd: {  	[tilespmem:v2+s14+$0x0] =	vst.idx.add.f32.msk $0xffff, v1  }
0xbe: {  	_ =	swait.ge [sflag:s19], $0x2800  }
0xbf: {  	p1 =	por p0, p0;
	s29 =	sadd.s32 s24, s31;
	[sflag:s19] =	ssyncset.done $0x0  }
0xc0: {  	s25 =	sadd.s32 $0x14, s25;
	s26 =	sadd.s32 s24, s30;
	[sflag:s19] =	ssyncadd.s32 $0xFFFFD800  }
0xc1: {  	[tilespmem:s8], [sflag:$0x5] =	stream.linear.gather [hbm4b:s25+s23], $0x50, $0x38;
	[tilespmem:$0x1C900] =	vst v63  }
0xc2: {  	s28 =	simm.s32 $0x0;
	s29 =	sshrl.u32 s29, $0x3;
	s25 =	sshrl.u32 s26, $0x3  }
0xc3: {  	s26 =	simm.s32 $0x140;
	s24 =	sadd.s32 s25, s6;
	s25 =	sadd.s32 s29, s6  }
0xc4: {  	[tilespmem:s1], [sflag:$0x1] =	stream.indirect.gather [hbm4b:s5+s11], $0x80, s20, s11, $0xb8;
	[tilespmem:$0x1C900] =	vst v63  }
.LBB2_7:
0xc5: {  	_ =	swait.ge [sflag:s12], $0x2800  }
0xc6: {  	[sflag:s12] =	ssyncset.done $0x0  }
0xc7: {  	[sflag:s12] =	ssyncadd.s32 $0xFFFFD800  }
0xc8: {  	_ =	swait.ge [sflag:s13], $0x50  }
0xc9: {  	[sflag:s13] =	ssyncset.done $0x0  }
0xca: {  	[sflag:s13] =	ssyncadd.s32 $0xFFFFFFB0  }
0xcb: {  	[spmem:s3] =	stream.indirect.scatter.add.f32 [tilespmem:s1], [sflag:$0x3], $0x80, s8, s11, $0xb8;
	[tilespmem:$0x1C900] =	vst v63  }
0xcc: {  	v2 =	vld [tilespmem:$0x1400];
	_ =	sdelay $0x7  }
0xcd: {  	[tilespmem:v2+s14+$0x0] =	vst.idx.add.f32.msk $0xffff, v1  }
0xce: {  	v2 =	vld [tilespmem:$0x1410];
	_ =	sdelay $0x7  }
0xcf: {  	[tilespmem:v2+s14+$0x0] =	vst.idx.add.f32.msk $0xffff, v1  }
0xd0: {  	v2 =	vld [tilespmem:$0x1420];
	_ =	sdelay $0x7  }
0xd1: {  	[tilespmem:v2+s14+$0x0] =	vst.idx.add.f32.msk $0xffff, v1  }
0xd2: {  	v2 =	vld [tilespmem:$0x1430];
	_ =	sdelay $0x7  }
0xd3: {  	[tilespmem:v2+s14+$0x0] =	vst.idx.add.f32.msk $0xffff, v1  }
0xd4: {  	v2 =	vld [tilespmem:$0x1440];
	_ =	sdelay $0x7  }
0xd5: {  	[tilespmem:v2+s14+$0x0] =	vst.idx.add.f32.msk $0xffff, v1  }
0xd6: {  	_ =	swait.ge [sflag:s21], $0x2800  }
0xd7: {  	[sflag:s21] =	ssyncset.done $0x0  }
0xd8: {  	s29 =	sadd.s32 s28, s25;
	[sflag:s21] =	ssyncadd.s32 $0xFFFFD800  }
0xd9: {  	[tilespmem:s15], [sflag:$0x6] =	stream.linear.gather [hbm4b:s29+s4], $0x50, $0x38;
	[tilespmem:$0x1C900] =	vst v63  }
0xda: {  	s29 =	sadd.s32 $0xFFFFFFB0, s26  }
0xdb: {  	[tilespmem:s16], [sflag:$0x2] =	stream.indirect.gather [hbm4b:s5+s11], $0x80, s29, s11, $0xb8;
	[tilespmem:$0x1C900] =	vst v63  }
0xdc: {  	_ =	swait.ge [sflag:s17], $0x2800  }
0xdd: {  	[sflag:s17] =	ssyncset.done $0x0  }
0xde: {  	[sflag:s17] =	ssyncadd.s32 $0xFFFFD800  }
0xdf: {  	_ =	swait.ge [sflag:s18], $0x50  }
0xe0: {  	[sflag:s18] =	ssyncset.done $0x0  }
0xe1: {  	[sflag:s18] =	ssyncadd.s32 $0xFFFFFFB0  }
0xe2: {  	[spmem:s3] =	stream.indirect.scatter.add.f32 [tilespmem:s16], [sflag:$0x4], $0x80, s15, s11, $0xb8;
	[tilespmem:$0x1C900] =	vst v63  }
0xe3: {  	v2 =	vld [tilespmem:$0x1480];
	_ =	sdelay $0x7  }
0xe4: {  	[tilespmem:v2+s14+$0x0] =	vst.idx.add.f32.msk $0xffff, v1  }
0xe5: {  	v2 =	vld [tilespmem:$0x1490];
	_ =	sdelay $0x7  }
0xe6: {  	[tilespmem:v2+s14+$0x0] =	vst.idx.add.f32.msk $0xffff, v1  }
0xe7: {  	v2 =	vld [tilespmem:$0x14A0];
	_ =	sdelay $0x7  }
0xe8: {  	[tilespmem:v2+s14+$0x0] =	vst.idx.add.f32.msk $0xffff, v1  }
0xe9: {  	v2 =	vld [tilespmem:$0x14B0];
	_ =	sdelay $0x7  }
0xea: {  	[tilespmem:v2+s14+$0x0] =	vst.idx.add.f32.msk $0xffff, v1  }
0xeb: {  	v2 =	vld [tilespmem:$0x14C0];
	_ =	sdelay $0x5  }
0xec: {  	p0 =	seq.s32 s28, $0x258  }
.Ltmp6:
0xed: {  	_ = 	snop;
	(pc) =	sbr.rel @p0 .LBB2_9-.Ltmp6, $4  }
0xee: {  	[tilespmem:v2+s14+$0x0] =	vst.idx.add.f32.msk $0xffff, v1  }
0xef: {  	_ =	swait.ge [sflag:s19], $0x2800  }
0xf0: {  	[sflag:s19] =	ssyncset.done $0x0  }
0xf1: {  	[sflag:s19] =	ssyncadd.s32 $0xFFFFD800  }
.Ltmp7:
0xf2: {  	s29 =	sadd.s32 s28, s24;
	(pc) =	sbr.rel .LBB2_7-.Ltmp7, $4  }
0xf3: {  	[tilespmem:s8], [sflag:$0x5] =	stream.linear.gather [hbm4b:s29+s4], $0x50, $0x38;
	[tilespmem:$0x1C900] =	vst v63  }
0xf4: {  	_ = 	snop  }
0xf5: {  	[tilespmem:s1], [sflag:$0x1] =	stream.indirect.gather [hbm4b:s5+s11], $0x80, s26, s11, $0xb8;
	[tilespmem:$0x1C900] =	vst v63  }
0xf6: {  	s28 =	sadd.s32 $0x14, s28;
	s26 =	sadd.s32 $0xA0, s26  }
.LBB2_11:
0xf7: {  	_ =	sfence.sel $0x180000  }
0xf8: {  	[bflag:$0x0] =	sbarrier.arrive $0xFFFF  }
0xf9: {  	_ =	strace $0x90000047  }
0xfa: {  	s0 =	stileid.u32;
	[bflag:$0x2] =	sbarrier.arrive $0xFFFF  }
0xfb: {  	p0 =	sne.s32 s0, $0x0;
	s0 =	rddreg [dreg:$0x3]  }
0xfc: {  	s0 =	sadd.s32 @!p0 $0x100000, s0  }
0xfd: {  	[sflag:s0] =	ssyncadd.tile.s32 @!p0 $0x1;
	_ =	shalt  }
.Lfunc_end2:
_tile_overlayer_lowered:
.L_overlay_start_2:
0xfe: {  	(tag) =	ssettag $0x2  }
0xff: {  	s0 =	rddreg [dreg:$0x0];
	s2 =	stileid.u32  }
0x100: {  	s1 =	rddreg [dreg:$0x1];
	p0 =	sne.s32 s2, $0x0  }
0x101: {  	s3 =	rddreg [dreg:$0x2];
	[bflag:$0x3] =	sbarrier.arrive $0xFFFF;
	s2 =	simm.s32 @!p0 $0x1C07  }
0x102: {  	[timem:s3], [sflag:s2] =	dma.local @!p0 [hbm:s0], s1  }
0x103: {  	s0 =	simm.s32 @!p0 $0x7  }
0x104: {  	_ =	swait.ge @!p0 [sflag:s0], s1  }
0x105: {  	s1 =	ssub.s32 @!p0 $0x0, s1;
	[sflag:s0] =	ssyncset.done @!p0 $0x0  }
0x106: {  	[sflag:s0] =	ssyncadd.s32 @!p0 s1  }
0x107: {  	[bflag:$0x3] =	sbarrier.arrive $0xFFFF  }
0x108: {  	_ =	shalt  }

</sc_bundles>
